<compile_context>
chip_gen: v7x
topology: tpu7x:2x2x1
jax: 0.10.2.dev20260603
libtpu: 0.0.44.dev20260713+nightly
codegen_flags: <defaults>
</compile_context>

<pallas_src>
import functools

import jax
import jax.numpy as jnp
from jax import lax
from jax.experimental import pallas as pl
from jax.experimental.pallas import tpu as pltpu
from jax.experimental.pallas import tpu_sc as plsc

B = 4096
D = 1024
T = 8
C = 1000
CP = 1024
BK1 = 1024
G1 = B // BK1
BM = 512
M = B // BM + (T - 1)
XS = M * BM
DP = D // 2
NC = 2
NS = 16
NW = NC * NS
TPW = B // NW
HH = 32


def _k1_body(x_ref, s_ref, tile_ref, xb_ref, pos_ref, bt_ref, carry_ref,
             oh_ref, rank_ref):
    i = pl.program_id(0)

    @pl.when(i == 0)
    def _():
        carry_ref[...] = jnp.zeros_like(carry_ref)

    @pl.when(i < G1)
    def _():
        xv = x_ref[...]
        u = lax.bitcast_convert_type(
            xv.astype(jnp.bfloat16), jnp.uint16).astype(jnp.int32)
        xb_ref[...] = u[:, :DP] | (u[:, DP:] << 16)
        sr = s_ref[...]
        sigs = jnp.where(sr > 0.3, 1.0, jnp.where(sr < -0.3, -1.0, 0.0))
        scores = lax.dot_general(xv, sigs, (((1,), (1,)), ((), ())),
                                 preferred_element_type=jnp.float32)
        idx = jnp.argmax(scores, axis=1).astype(jnp.int32)
        tile_ref[...] = idx[:, None]

        lane = lax.broadcasted_iota(jnp.int32, (BK1, 128), 1)
        oh = (idx[:, None] == lane).astype(jnp.float32)
        r = lax.broadcasted_iota(jnp.int32, (BK1, BK1), 0)
        c = lax.broadcasted_iota(jnp.int32, (BK1, BK1), 1)
        tril = (c < r).astype(jnp.float32)
        csum = lax.dot_general(tril, oh, (((1,), (0,)), ((), ())),
                               preferred_element_type=jnp.float32)
        carry = carry_ref[...]
        rank = jnp.sum((csum + carry) * oh, axis=1)
        oh_ref[pl.ds(i * BK1, BK1), :] = oh
        rank_ref[pl.ds(i * BK1, BK1), :] = rank[:, None]
        carry_ref[...] = carry + jnp.sum(oh, axis=0, keepdims=True)

    @pl.when(i == G1)
    def _():
        counts = carry_ref[...]
        padded = jnp.ceil(counts / BM) * BM
        r2 = lax.broadcasted_iota(jnp.int32, (128, 128), 0)
        c2 = lax.broadcasted_iota(jnp.int32, (128, 128), 1)
        ustrict = (r2 < c2).astype(jnp.float32)
        offs = lax.dot_general(padded, ustrict, (((1,), (0,)), ((), ())),
                               preferred_element_type=jnp.float32)
        eye = (r2 == c2).astype(jnp.float32)
        s_col = lax.dot_general(eye, offs * (1.0 / BM), (((1,), (1,)), ((), ())),
                                preferred_element_type=jnp.float32)
        ind = (c2.astype(jnp.float32) >= s_col).astype(jnp.float32)
        btv = jnp.sum(ind, axis=0, keepdims=True) - 1.0
        btv = jnp.clip(btv, 0.0, float(T - 1))
        lane1 = lax.broadcasted_iota(jnp.int32, (1, 128), 1)
        btv = jnp.where(lane1 == 64, s_col[T, 0], btv)
        bt_ref[...] = btv.astype(jnp.int32)
        seg = lax.dot_general(oh_ref[...], offs, (((1,), (1,)), ((), ())),
                              preferred_element_type=jnp.float32)
        pos_ref[...] = (rank_ref[...] + seg).astype(jnp.int32)


def _k1_call(x, signatures_raw):
    last = G1 - 1
    return pl.pallas_call(
        _k1_body,
        grid=(G1 + 1,),
        in_specs=[
            pl.BlockSpec((BK1, D), lambda i: (jnp.minimum(i, last), 0)),
            pl.BlockSpec((T, D), lambda i: (0, 0)),
        ],
        out_specs=[
            pl.BlockSpec((BK1, 1), lambda i: (jnp.minimum(i, last), 0)),
            pl.BlockSpec((BK1, DP), lambda i: (jnp.minimum(i, last), 0)),
            pl.BlockSpec((B, 1), lambda i: (0, 0)),
            pl.BlockSpec((1, 128), lambda i: (0, 0)),
        ],
        out_shape=[
            jax.ShapeDtypeStruct((B, 1), jnp.int32),
            jax.ShapeDtypeStruct((B, DP), jnp.int32),
            jax.ShapeDtypeStruct((B, 1), jnp.int32),
            jax.ShapeDtypeStruct((1, 128), jnp.int32),
        ],
        scratch_shapes=[
            pltpu.VMEM((1, 128), jnp.float32),
            pltpu.VMEM((B, 128), jnp.float32),
            pltpu.VMEM((B, 1), jnp.float32),
        ],
    )(x, signatures_raw)


@functools.cache
def _sc_kernels():
    mesh = plsc.VectorSubcoreMesh(core_axis_name="c", subcore_axis_name="s")
    nch = TPW // HH
    nbuf = 3

    @functools.partial(
        pl.kernel,
        mesh=mesh,
        out_type=jax.ShapeDtypeStruct((XS, DP), jnp.int32),
        scratch_types=[
            pltpu.VMEM((nch, HH), jnp.int32),
            pltpu.VMEM((nbuf, HH, DP), jnp.int32),
            pltpu.SemaphoreType.DMA,
            pltpu.SemaphoreType.DMA,
        ],
    )
    def k2_scatter(x_hbm, pos_hbm, xs_hbm, pos_v, bufs, in_sem, out_sem):
        wid = lax.axis_index("s") * NC + lax.axis_index("c")
        base = wid * TPW
        pltpu.sync_copy(pos_hbm.at[wid], pos_v)
        ins, outs = {}, {}

        def start_in(h):
            ins[h] = pltpu.async_copy(
                x_hbm.at[pl.ds(base + h * HH, HH)], bufs.at[h % nbuf], in_sem)

        for h in range(nbuf):
            start_in(h)
        for h in range(nch):
            ins[h].wait()
            outs[h] = pltpu.async_copy(
                bufs.at[h % nbuf], xs_hbm.at[pos_v.at[h]], out_sem)
            if h + nbuf < nch:
                outs[h].wait()
                start_in(h + nbuf)
        for h in range(nch):
            if h + nbuf >= nch:
                outs[h].wait()

    @functools.partial(
        pl.kernel,
        mesh=mesh,
        out_type=jax.ShapeDtypeStruct((B, CP), jnp.float32),
        scratch_types=[
            pltpu.VMEM((nch, HH), jnp.int32),
            pltpu.VMEM((nbuf, HH, CP), jnp.float32),
            pltpu.SemaphoreType.DMA,
            pltpu.SemaphoreType.DMA,
        ],
    )
    def k4_gather(ls_hbm, pos_hbm, out_hbm, pos_v, bufs, in_sem, out_sem):
        wid = lax.axis_index("s") * NC + lax.axis_index("c")
        base = wid * TPW
        pltpu.sync_copy(pos_hbm.at[wid], pos_v)
        ins, outs = {}, {}

        def start_in(h):
            ins[h] = pltpu.async_copy(
                ls_hbm.at[pos_v.at[h]], bufs.at[h % nbuf], in_sem)

        for h in range(nbuf):
            start_in(h)
        for h in range(nch):
            ins[h].wait()
            outs[h] = pltpu.async_copy(
                bufs.at[h % nbuf],
                out_hbm.at[pl.ds(base + h * HH, HH)], out_sem)
            if h + nbuf < nch:
                outs[h].wait()
                start_in(h + nbuf)
        for h in range(nch):
            if h + nbuf >= nch:
                outs[h].wait()

    return k2_scatter, k4_gather


def _k3_body(bt_ref, xs_ref, w_ref, b_ref, out_ref, wbf_ref):
    m = pl.program_id(0)

    @pl.when(m == 0)
    def _():
        wbf_ref[pl.ds(C, CP - C)] = jnp.zeros((CP - C, D), jnp.bfloat16)

    @pl.when(m < bt_ref[64])
    def _():
        tprev = bt_ref[jnp.maximum(m - 1, 0)]

        @pl.when(jnp.logical_or(m == 0, bt_ref[m] != tprev))
        def _():
            wbf_ref[pl.ds(0, C)] = w_ref[0].astype(jnp.bfloat16)

        v = xs_ref[...]
        lo = lax.bitcast_convert_type(v << 16, jnp.float32)
        hi = lax.bitcast_convert_type(v & jnp.int32(-65536), jnp.float32)
        xb = jnp.concatenate([lo, hi], axis=1).astype(jnp.bfloat16)
        bb = jnp.pad(b_ref[0], ((0, 0), (0, CP - C)))
        out_ref[...] = lax.dot_general(
            xb, wbf_ref[...], (((1,), (1,)), ((), ())),
            preferred_element_type=jnp.float32) + bb


def _k3_call(bt_flat, xs, W, bp):
    grid_spec = pltpu.PrefetchScalarGridSpec(
        num_scalar_prefetch=1,
        grid=(M,),
        in_specs=[
            pl.BlockSpec((BM, DP), lambda m, bt: (m, 0)),
            pl.BlockSpec((1, C, D), lambda m, bt: (bt[m], 0, 0)),
            pl.BlockSpec((1, 1, C), lambda m, bt: (bt[m], 0, 0)),
        ],
        out_specs=pl.BlockSpec((BM, CP), lambda m, bt: (m, 0)),
        scratch_shapes=[pltpu.VMEM((CP, D), jnp.bfloat16)],
    )
    return pl.pallas_call(
        _k3_body,
        grid_spec=grid_spec,
        out_shape=jax.ShapeDtypeStruct((XS, CP), jnp.float32),
    )(bt_flat, xs, W, bp)


def kernel(x, signatures_raw, W, b):
    k2_scatter, k4_gather = _sc_kernels()
    tile2d, xb, pos2d, bt2d = _k1_call(x, signatures_raw)
    tile_flat = tile2d.reshape(B)
    pos_flat = pos2d.reshape(B)
    bt_flat = bt2d.reshape(128)

    pos4 = pos_flat.reshape(NW, TPW // HH, HH)
    xs = k2_scatter(xb, pos4)

    ls = _k3_call(bt_flat, xs, W, b.reshape(T, 1, C))

    logits_full = k4_gather(ls, pos4)
    return logits_full[:, :C], tile_flat

# --- scband reference (transcript-rebuilt; emitter-appended) ---
"""Pipeline reference for scband-minimal-tri-xlayer-65884798321353 (READ-ONLY COPY).

The authoritative reference and input builder live on the scoring server;
editing this copy changes nothing except your own understanding.
"""

import jax, jax.numpy as jnp
import numpy as np

D_MODEL = 1024
N_TILES = 8
N_CLASSES = 1000
N_TOKENS = 4096


def _quantize_ternary(x):
    q = jnp.where(x > 0.3, 1.0, jnp.where(x < -0.3, -1.0, 0.0))
    return x + jax.lax.stop_gradient(q - x)


def setup_inputs(seed: int = 0) -> dict:
    key = jax.random.key(seed)
    k1, k2, k3 = jax.random.split(key, 3)
    x = jax.random.normal(k1, (N_TOKENS, D_MODEL), dtype=jnp.float32)
    signatures_raw = jax.random.normal(k2, (N_TILES, D_MODEL), dtype=jnp.float32) * 0.5
    # per-tile Linear(d_model, n_classes): weight [n_classes, d_model], bias [n_classes]
    bound = 1.0 / np.sqrt(D_MODEL)
    W = jax.random.uniform(k3, (N_TILES, N_CLASSES, D_MODEL), dtype=jnp.float32, minval=-bound, maxval=bound)
    b = jnp.zeros((N_TILES, N_CLASSES), dtype=jnp.float32)
    return {"x": x, "signatures_raw": signatures_raw, "W": W, "b": b}


def reference(x, signatures_raw, W, b):
    # straight-through ternary quantized signatures
    sigs = _quantize_ternary(signatures_raw)
    # routing: scores = x @ sigs.T, hard argmax per token
    scores = x @ sigs.T  # [B, n_tiles]
    tile_indices = jnp.argmax(scores, axis=-1)  # [B]
    # per-tile linear heads; equivalent to logits[mask] = tile_outputs[t](x[mask])
    # (argmax partitions tokens, so select the winning tile's output per token)
    all_logits = jnp.einsum('bd,tcd->btc', x, W) + b[None, :, :]  # [B, n_tiles, n_classes]
    logits = jnp.take_along_axis(all_logits, tile_indices[:, None, None], axis=1)[:, 0, :]  # [B, n_classes]
    return logits, tile_indices

if __name__ == "__main__":
    import jax
    _d = setup_inputs()
    print(jax.jit(kernel)(*tuple(_d.values())))

</pallas_src>

<mosaic_0001>
#map = affine_map<(d0, d1) -> (0, 0)>
#map1 = affine_map<(d0, d1) -> (0, 0, 0)>
module attributes {stable_mosaic.version = 14 : i64} {
  func.func @k4_gather(%arg0: i32, %arg1: i32, %arg2: memref<7680x1024xf32, #tpu.memory_space<hbm>>, %arg3: memref<32x4x32xi32, #tpu.memory_space<hbm>>, %arg4: memref<4096x1024xf32, #tpu.memory_space<hbm>>, %arg5: memref<4x32xi32, #tpu.memory_space<vmem>>, %arg6: memref<3x32x1024xf32, #tpu.memory_space<vmem>>, %arg7: memref<!tpu.dma_semaphore, #tpu.memory_space<semaphore_mem>>, %arg8: memref<!tpu.dma_semaphore, #tpu.memory_space<semaphore_mem>>) attributes {dimension_semantics = [#tpu.dimension_semantics<core_parallel>, #tpu.dimension_semantics<subcore_parallel>], iteration_bounds = array<i64: 2, 16>, scalar_prefetch = 0 : i64, scratch_operands = 4 : i64, tpu.core_type = #tpu.core_type<sc_vector_subcore>, window_params = [{transform_indices = #map}, {transform_indices = #map1}, {transform_indices = #map}]} {
    %mul3A = arith.constant 2 : i32
    %mul3A_0 = arith.muli %arg1, %mul3A : i32
    %add3A = arith.addi %mul3A_0, %arg0 : i32
    %mul3A_1 = arith.constant 128 : i32
    %mul3A_2 = arith.muli %add3A, %mul3A_1 : i32
    "tpu.region"() ({
      %run_scoped3A = tpu.sem_alloc : memref<!tpu.dma_semaphore, #tpu.memory_space<semaphore_mem>>
      %dma_start3A_209 = arith.constant 0 : i32
      %dma_start3A_210 = arith.constant 0 : i32
      %dma_start3A_211 = tpu.memref_slice %arg3[%add3A, %dma_start3A_209, %dma_start3A_210] : memref<32x4x32xi32, #tpu.memory_space<hbm>> -> memref<1x4x32xi32, #tpu.memory_space<hbm>>
      %dma_start3A_212 = tpu.memref_squeeze %dma_start3A_211 : memref<1x4x32xi32, #tpu.memory_space<hbm>> -> memref<4x32xi32, #tpu.memory_space<hbm>>
      %dma_start3A_213 = arith.constant 0 : i32
      %dma_start3A_214 = arith.constant 0 : i32
      %dma_start3A_215 = tpu.memref_slice %arg3[%add3A, %dma_start3A_213, %dma_start3A_214] : memref<32x4x32xi32, #tpu.memory_space<hbm>> -> memref<1x4x32xi32, #tpu.memory_space<hbm>>
      %dma_start3A_216 = tpu.memref_squeeze %dma_start3A_215 : memref<1x4x32xi32, #tpu.memory_space<hbm>> -> memref<4x32xi32, #tpu.memory_space<hbm>>
      tpu.enqueue_dma source(%dma_start3A_216 : memref<4x32xi32, #tpu.memory_space<hbm>>) target(%arg5 : memref<4x32xi32, #tpu.memory_space<vmem>>) target_semaphore(%run_scoped3A : memref<!tpu.dma_semaphore, #tpu.memory_space<semaphore_mem>>)
      %dma_wait3A_217 = arith.constant 0 : i32
      %dma_wait3A_218 = arith.constant 0 : i32
      %dma_wait3A_219 = tpu.memref_slice %arg3[%add3A, %dma_wait3A_217, %dma_wait3A_218] : memref<32x4x32xi32, #tpu.memory_space<hbm>> -> memref<1x4x32xi32, #tpu.memory_space<hbm>>
      %dma_wait3A_220 = tpu.memref_squeeze %dma_wait3A_219 : memref<1x4x32xi32, #tpu.memory_space<hbm>> -> memref<4x32xi32, #tpu.memory_space<hbm>>
      %dma_wait3A_221 = arith.constant 0 : i32
      %dma_wait3A_222 = arith.constant 0 : i32
      %dma_wait3A_223 = tpu.memref_slice %arg3[%add3A, %dma_wait3A_221, %dma_wait3A_222] : memref<32x4x32xi32, #tpu.memory_space<hbm>> -> memref<1x4x32xi32, #tpu.memory_space<hbm>>
      %dma_wait3A_224 = tpu.memref_squeeze %dma_wait3A_223 : memref<1x4x32xi32, #tpu.memory_space<hbm>> -> memref<4x32xi32, #tpu.memory_space<hbm>>
      tpu.wait_dma2 semaphore(%run_scoped3A : memref<!tpu.dma_semaphore, #tpu.memory_space<semaphore_mem>>) src(%dma_wait3A_224 : memref<4x32xi32, #tpu.memory_space<hbm>>) dst(%arg5 : memref<4x32xi32, #tpu.memory_space<vmem>>)
      tpu.yield
    }) : () -> ()
    %dma_start3A = arith.constant 0 : i32
    %dma_start3A_3 = arith.constant 0 : i32
    %dma_start3A_4 = arith.constant 0 : i32
    %dma_start3A_5 = arith.constant 0 : i32
    %dma_start3A_6 = tpu.memref_slice %arg6[%dma_start3A_3, %dma_start3A_4, %dma_start3A_5] : memref<3x32x1024xf32, #tpu.memory_space<vmem>> -> memref<1x32x1024xf32, #tpu.memory_space<vmem>>
    %dma_start3A_7 = tpu.memref_squeeze %dma_start3A_6 : memref<1x32x1024xf32, #tpu.memory_space<vmem>> -> memref<32x1024xf32, #tpu.memory_space<vmem>>
    %dma_start3A_8 = arith.constant 0 : i32
    %dma_start3A_9 = tpu.memref_slice %arg5[%dma_start3A, %dma_start3A_8] : memref<4x32xi32, #tpu.memory_space<vmem>> -> memref<1x32xi32, #tpu.memory_space<vmem>>
    %dma_start3A_10 = tpu.memref_squeeze %dma_start3A_9 : memref<1x32xi32, #tpu.memory_space<vmem>> -> memref<32xi32, #tpu.memory_space<vmem>>
    %dma_start3A_11 = arith.constant 0 : i32
    %dma_start3A_12 = arith.constant 0 : i32
    %dma_start3A_13 = tpu.memref_slice %arg2[%dma_start3A_11, %dma_start3A_12] : memref<7680x1024xf32, #tpu.memory_space<hbm>> -> memref<7680x1024xf32, #tpu.memory_space<hbm>>
    tpu.enqueue_indirect_dma source(%dma_start3A_13 : memref<7680x1024xf32, #tpu.memory_space<hbm>>) target(%dma_start3A_7 : memref<32x1024xf32, #tpu.memory_space<vmem>>) offsets(%dma_start3A_10 : memref<32xi32, #tpu.memory_space<vmem>>) semaphore(%arg7 : memref<!tpu.dma_semaphore, #tpu.memory_space<semaphore_mem>>)
    %dma_start3A_14 = arith.constant 1 : i32
    %dma_start3A_15 = arith.constant 1 : i32
    %dma_start3A_16 = arith.constant 0 : i32
    %dma_start3A_17 = arith.constant 0 : i32
    %dma_start3A_18 = tpu.memref_slice %arg6[%dma_start3A_15, %dma_start3A_16, %dma_start3A_17] : memref<3x32x1024xf32, #tpu.memory_space<vmem>> -> memref<1x32x1024xf32, #tpu.memory_space<vmem>>
    %dma_start3A_19 = tpu.memref_squeeze %dma_start3A_18 : memref<1x32x1024xf32, #tpu.memory_space<vmem>> -> memref<32x1024xf32, #tpu.memory_space<vmem>>
    %dma_start3A_20 = arith.constant 0 : i32
    %dma_start3A_21 = tpu.memref_slice %arg5[%dma_start3A_14, %dma_start3A_20] : memref<4x32xi32, #tpu.memory_space<vmem>> -> memref<1x32xi32, #tpu.memory_space<vmem>>
    %dma_start3A_22 = tpu.memref_squeeze %dma_start3A_21 : memref<1x32xi32, #tpu.memory_space<vmem>> -> memref<32xi32, #tpu.memory_space<vmem>>
    %dma_start3A_23 = arith.constant 0 : i32
    %dma_start3A_24 = arith.constant 0 : i32
    %dma_start3A_25 = tpu.memref_slice %arg2[%dma_start3A_23, %dma_start3A_24] : memref<7680x1024xf32, #tpu.memory_space<hbm>> -> memref<7680x1024xf32, #tpu.memory_space<hbm>>
    tpu.enqueue_indirect_dma source(%dma_start3A_25 : memref<7680x1024xf32, #tpu.memory_space<hbm>>) target(%dma_start3A_19 : memref<32x1024xf32, #tpu.memory_space<vmem>>) offsets(%dma_start3A_22 : memref<32xi32, #tpu.memory_space<vmem>>) semaphore(%arg7 : memref<!tpu.dma_semaphore, #tpu.memory_space<semaphore_mem>>)
    %dma_start3A_26 = arith.constant 2 : i32
    %dma_start3A_27 = arith.constant 2 : i32
    %dma_start3A_28 = arith.constant 0 : i32
    %dma_start3A_29 = arith.constant 0 : i32
    %dma_start3A_30 = tpu.memref_slice %arg6[%dma_start3A_27, %dma_start3A_28, %dma_start3A_29] : memref<3x32x1024xf32, #tpu.memory_space<vmem>> -> memref<1x32x1024xf32, #tpu.memory_space<vmem>>
    %dma_start3A_31 = tpu.memref_squeeze %dma_start3A_30 : memref<1x32x1024xf32, #tpu.memory_space<vmem>> -> memref<32x1024xf32, #tpu.memory_space<vmem>>
    %dma_start3A_32 = arith.constant 0 : i32
    %dma_start3A_33 = tpu.memref_slice %arg5[%dma_start3A_26, %dma_start3A_32] : memref<4x32xi32, #tpu.memory_space<vmem>> -> memref<1x32xi32, #tpu.memory_space<vmem>>
    %dma_start3A_34 = tpu.memref_squeeze %dma_start3A_33 : memref<1x32xi32, #tpu.memory_space<vmem>> -> memref<32xi32, #tpu.memory_space<vmem>>
    %dma_start3A_35 = arith.constant 0 : i32
    %dma_start3A_36 = arith.constant 0 : i32
    %dma_start3A_37 = tpu.memref_slice %arg2[%dma_start3A_35, %dma_start3A_36] : memref<7680x1024xf32, #tpu.memory_space<hbm>> -> memref<7680x1024xf32, #tpu.memory_space<hbm>>
    tpu.enqueue_indirect_dma source(%dma_start3A_37 : memref<7680x1024xf32, #tpu.memory_space<hbm>>) target(%dma_start3A_31 : memref<32x1024xf32, #tpu.memory_space<vmem>>) offsets(%dma_start3A_34 : memref<32xi32, #tpu.memory_space<vmem>>) semaphore(%arg7 : memref<!tpu.dma_semaphore, #tpu.memory_space<semaphore_mem>>)
    %dma_wait3A = arith.constant 0 : i32
    %dma_wait3A_38 = arith.constant 0 : i32
    %dma_wait3A_39 = arith.constant 0 : i32
    %dma_wait3A_40 = arith.constant 0 : i32
    %dma_wait3A_41 = tpu.memref_slice %arg6[%dma_wait3A_38, %dma_wait3A_39, %dma_wait3A_40] : memref<3x32x1024xf32, #tpu.memory_space<vmem>> -> memref<1x32x1024xf32, #tpu.memory_space<vmem>>
    %dma_wait3A_42 = tpu.memref_squeeze %dma_wait3A_41 : memref<1x32x1024xf32, #tpu.memory_space<vmem>> -> memref<32x1024xf32, #tpu.memory_space<vmem>>
    %dma_wait3A_43 = arith.constant 0 : i32
    %dma_wait3A_44 = tpu.memref_slice %arg5[%dma_wait3A, %dma_wait3A_43] : memref<4x32xi32, #tpu.memory_space<vmem>> -> memref<1x32xi32, #tpu.memory_space<vmem>>
    %dma_wait3A_45 = tpu.memref_squeeze %dma_wait3A_44 : memref<1x32xi32, #tpu.memory_space<vmem>> -> memref<32xi32, #tpu.memory_space<vmem>>
    %dma_wait3A_46 = arith.constant 0 : i32
    %dma_wait3A_47 = arith.constant 0 : i32
    %dma_wait3A_48 = tpu.memref_slice %arg2[%dma_wait3A_46, %dma_wait3A_47] : memref<7680x1024xf32, #tpu.memory_space<hbm>> -> memref<7680x1024xf32, #tpu.memory_space<hbm>>
    tpu.wait_indirect_dma semaphore(%arg7 : memref<!tpu.dma_semaphore, #tpu.memory_space<semaphore_mem>>) src(%dma_wait3A_48 : memref<7680x1024xf32, #tpu.memory_space<hbm>>) dst(%dma_wait3A_42 : memref<32x1024xf32, #tpu.memory_space<vmem>>)
    %add3A_49 = arith.constant 0 : i32
    %add3A_50 = arith.addi %mul3A_2, %add3A_49 : i32
    %dma_start3A_51 = arith.constant 0 : i32
    %dma_start3A_52 = arith.constant 0 : i32
    %dma_start3A_53 = arith.constant 0 : i32
    %dma_start3A_54 = tpu.memref_slice %arg6[%dma_start3A_51, %dma_start3A_52, %dma_start3A_53] : memref<3x32x1024xf32, #tpu.memory_space<vmem>> -> memref<1x32x1024xf32, #tpu.memory_space<vmem>>
    %dma_start3A_55 = tpu.memref_squeeze %dma_start3A_54 : memref<1x32x1024xf32, #tpu.memory_space<vmem>> -> memref<32x1024xf32, #tpu.memory_space<vmem>>
    %dma_start3A_56 = arith.constant 0 : i32
    %dma_start3A_57 = tpu.memref_slice %arg4[%add3A_50, %dma_start3A_56] : memref<4096x1024xf32, #tpu.memory_space<hbm>> -> memref<32x1024xf32, #tpu.memory_space<hbm>>
    %dma_start3A_58 = arith.constant 0 : i32
    %dma_start3A_59 = tpu.memref_slice %arg4[%add3A_50, %dma_start3A_58] : memref<4096x1024xf32, #tpu.memory_space<hbm>> -> memref<32x1024xf32, #tpu.memory_space<hbm>>
    %dma_start3A_60 = arith.constant 0 : i32
    %dma_start3A_61 = arith.constant 0 : i32
    %dma_start3A_62 = tpu.memref_slice %arg6[%dma_start3A_51, %dma_start3A_60, %dma_start3A_61] : memref<3x32x1024xf32, #tpu.memory_space<vmem>> -> memref<1x32x1024xf32, #tpu.memory_space<vmem>>
    %dma_start3A_63 = tpu.memref_squeeze %dma_start3A_62 : memref<1x32x1024xf32, #tpu.memory_space<vmem>> -> memref<32x1024xf32, #tpu.memory_space<vmem>>
    tpu.enqueue_dma source(%dma_start3A_63 : memref<32x1024xf32, #tpu.memory_space<vmem>>) target(%dma_start3A_59 : memref<32x1024xf32, #tpu.memory_space<hbm>>) target_semaphore(%arg8 : memref<!tpu.dma_semaphore, #tpu.memory_space<semaphore_mem>>)
    %dma_wait3A_64 = arith.constant 0 : i32
    %dma_wait3A_65 = arith.constant 0 : i32
    %dma_wait3A_66 = arith.constant 0 : i32
    %dma_wait3A_67 = tpu.memref_slice %arg6[%dma_wait3A_64, %dma_wait3A_65, %dma_wait3A_66] : memref<3x32x1024xf32, #tpu.memory_space<vmem>> -> memref<1x32x1024xf32, #tpu.memory_space<vmem>>
    %dma_wait3A_68 = tpu.memref_squeeze %dma_wait3A_67 : memref<1x32x1024xf32, #tpu.memory_space<vmem>> -> memref<32x1024xf32, #tpu.memory_space<vmem>>
    %dma_wait3A_69 = arith.constant 0 : i32
    %dma_wait3A_70 = tpu.memref_slice %arg4[%add3A_50, %dma_wait3A_69] : memref<4096x1024xf32, #tpu.memory_space<hbm>> -> memref<32x1024xf32, #tpu.memory_space<hbm>>
    %dma_wait3A_71 = arith.constant 0 : i32
    %dma_wait3A_72 = tpu.memref_slice %arg4[%add3A_50, %dma_wait3A_71] : memref<4096x1024xf32, #tpu.memory_space<hbm>> -> memref<32x1024xf32, #tpu.memory_space<hbm>>
    %dma_wait3A_73 = arith.constant 0 : i32
    %dma_wait3A_74 = arith.constant 0 : i32
    %dma_wait3A_75 = tpu.memref_slice %arg6[%dma_wait3A_64, %dma_wait3A_73, %dma_wait3A_74] : memref<3x32x1024xf32, #tpu.memory_space<vmem>> -> memref<1x32x1024xf32, #tpu.memory_space<vmem>>
    %dma_wait3A_76 = tpu.memref_squeeze %dma_wait3A_75 : memref<1x32x1024xf32, #tpu.memory_space<vmem>> -> memref<32x1024xf32, #tpu.memory_space<vmem>>
    tpu.wait_dma2 semaphore(%arg8 : memref<!tpu.dma_semaphore, #tpu.memory_space<semaphore_mem>>) src(%dma_wait3A_76 : memref<32x1024xf32, #tpu.memory_space<vmem>>) dst(%dma_wait3A_72 : memref<32x1024xf32, #tpu.memory_space<hbm>>)
    %dma_start3A_77 = arith.constant 3 : i32
    %dma_start3A_78 = arith.constant 0 : i32
    %dma_start3A_79 = arith.constant 0 : i32
    %dma_start3A_80 = arith.constant 0 : i32
    %dma_start3A_81 = tpu.memref_slice %arg6[%dma_start3A_78, %dma_start3A_79, %dma_start3A_80] : memref<3x32x1024xf32, #tpu.memory_space<vmem>> -> memref<1x32x1024xf32, #tpu.memory_space<vmem>>
    %dma_start3A_82 = tpu.memref_squeeze %dma_start3A_81 : memref<1x32x1024xf32, #tpu.memory_space<vmem>> -> memref<32x1024xf32, #tpu.memory_space<vmem>>
    %dma_start3A_83 = arith.constant 0 : i32
    %dma_start3A_84 = tpu.memref_slice %arg5[%dma_start3A_77, %dma_start3A_83] : memref<4x32xi32, #tpu.memory_space<vmem>> -> memref<1x32xi32, #tpu.memory_space<vmem>>
    %dma_start3A_85 = tpu.memref_squeeze %dma_start3A_84 : memref<1x32xi32, #tpu.memory_space<vmem>> -> memref<32xi32, #tpu.memory_space<vmem>>
    %dma_start3A_86 = arith.constant 0 : i32
    %dma_start3A_87 = arith.constant 0 : i32
    %dma_start3A_88 = tpu.memref_slice %arg2[%dma_start3A_86, %dma_start3A_87] : memref<7680x1024xf32, #tpu.memory_space<hbm>> -> memref<7680x1024xf32, #tpu.memory_space<hbm>>
    tpu.enqueue_indirect_dma source(%dma_start3A_88 : memref<7680x1024xf32, #tpu.memory_space<hbm>>) target(%dma_start3A_82 : memref<32x1024xf32, #tpu.memory_space<vmem>>) offsets(%dma_start3A_85 : memref<32xi32, #tpu.memory_space<vmem>>) semaphore(%arg7 : memref<!tpu.dma_semaphore, #tpu.memory_space<semaphore_mem>>)
    %dma_wait3A_89 = arith.constant 1 : i32
    %dma_wait3A_90 = arith.constant 1 : i32
    %dma_wait3A_91 = arith.constant 0 : i32
    %dma_wait3A_92 = arith.constant 0 : i32
    %dma_wait3A_93 = tpu.memref_slice %arg6[%dma_wait3A_90, %dma_wait3A_91, %dma_wait3A_92] : memref<3x32x1024xf32, #tpu.memory_space<vmem>> -> memref<1x32x1024xf32, #tpu.memory_space<vmem>>
    %dma_wait3A_94 = tpu.memref_squeeze %dma_wait3A_93 : memref<1x32x1024xf32, #tpu.memory_space<vmem>> -> memref<32x1024xf32, #tpu.memory_space<vmem>>
    %dma_wait3A_95 = arith.constant 0 : i32
    %dma_wait3A_96 = tpu.memref_slice %arg5[%dma_wait3A_89, %dma_wait3A_95] : memref<4x32xi32, #tpu.memory_space<vmem>> -> memref<1x32xi32, #tpu.memory_space<vmem>>
    %dma_wait3A_97 = tpu.memref_squeeze %dma_wait3A_96 : memref<1x32xi32, #tpu.memory_space<vmem>> -> memref<32xi32, #tpu.memory_space<vmem>>
    %dma_wait3A_98 = arith.constant 0 : i32
    %dma_wait3A_99 = arith.constant 0 : i32
    %dma_wait3A_100 = tpu.memref_slice %arg2[%dma_wait3A_98, %dma_wait3A_99] : memref<7680x1024xf32, #tpu.memory_space<hbm>> -> memref<7680x1024xf32, #tpu.memory_space<hbm>>
    tpu.wait_indirect_dma semaphore(%arg7 : memref<!tpu.dma_semaphore, #tpu.memory_space<semaphore_mem>>) src(%dma_wait3A_100 : memref<7680x1024xf32, #tpu.memory_space<hbm>>) dst(%dma_wait3A_94 : memref<32x1024xf32, #tpu.memory_space<vmem>>)
    %add3A_101 = arith.constant 32 : i32
    %add3A_102 = arith.addi %mul3A_2, %add3A_101 : i32
    %dma_start3A_103 = arith.constant 1 : i32
    %dma_start3A_104 = arith.constant 0 : i32
    %dma_start3A_105 = arith.constant 0 : i32
    %dma_start3A_106 = tpu.memref_slice %arg6[%dma_start3A_103, %dma_start3A_104, %dma_start3A_105] : memref<3x32x1024xf32, #tpu.memory_space<vmem>> -> memref<1x32x1024xf32, #tpu.memory_space<vmem>>
    %dma_start3A_107 = tpu.memref_squeeze %dma_start3A_106 : memref<1x32x1024xf32, #tpu.memory_space<vmem>> -> memref<32x1024xf32, #tpu.memory_space<vmem>>
    %dma_start3A_108 = arith.constant 0 : i32
    %dma_start3A_109 = tpu.memref_slice %arg4[%add3A_102, %dma_start3A_108] : memref<4096x1024xf32, #tpu.memory_space<hbm>> -> memref<32x1024xf32, #tpu.memory_space<hbm>>
    %dma_start3A_110 = arith.constant 0 : i32
    %dma_start3A_111 = tpu.memref_slice %arg4[%add3A_102, %dma_start3A_110] : memref<4096x1024xf32, #tpu.memory_space<hbm>> -> memref<32x1024xf32, #tpu.memory_space<hbm>>
    %dma_start3A_112 = arith.constant 0 : i32
    %dma_start3A_113 = arith.constant 0 : i32
    %dma_start3A_114 = tpu.memref_slice %arg6[%dma_start3A_103, %dma_start3A_112, %dma_start3A_113] : memref<3x32x1024xf32, #tpu.memory_space<vmem>> -> memref<1x32x1024xf32, #tpu.memory_space<vmem>>
    %dma_start3A_115 = tpu.memref_squeeze %dma_start3A_114 : memref<1x32x1024xf32, #tpu.memory_space<vmem>> -> memref<32x1024xf32, #tpu.memory_space<vmem>>
    tpu.enqueue_dma source(%dma_start3A_115 : memref<32x1024xf32, #tpu.memory_space<vmem>>) target(%dma_start3A_111 : memref<32x1024xf32, #tpu.memory_space<hbm>>) target_semaphore(%arg8 : memref<!tpu.dma_semaphore, #tpu.memory_space<semaphore_mem>>)
    %dma_wait3A_116 = arith.constant 2 : i32
    %dma_wait3A_117 = arith.constant 2 : i32
    %dma_wait3A_118 = arith.constant 0 : i32
    %dma_wait3A_119 = arith.constant 0 : i32
    %dma_wait3A_120 = tpu.memref_slice %arg6[%dma_wait3A_117, %dma_wait3A_118, %dma_wait3A_119] : memref<3x32x1024xf32, #tpu.memory_space<vmem>> -> memref<1x32x1024xf32, #tpu.memory_space<vmem>>
    %dma_wait3A_121 = tpu.memref_squeeze %dma_wait3A_120 : memref<1x32x1024xf32, #tpu.memory_space<vmem>> -> memref<32x1024xf32, #tpu.memory_space<vmem>>
    %dma_wait3A_122 = arith.constant 0 : i32
    %dma_wait3A_123 = tpu.memref_slice %arg5[%dma_wait3A_116, %dma_wait3A_122] : memref<4x32xi32, #tpu.memory_space<vmem>> -> memref<1x32xi32, #tpu.memory_space<vmem>>
    %dma_wait3A_124 = tpu.memref_squeeze %dma_wait3A_123 : memref<1x32xi32, #tpu.memory_space<vmem>> -> memref<32xi32, #tpu.memory_space<vmem>>
    %dma_wait3A_125 = arith.constant 0 : i32
    %dma_wait3A_126 = arith.constant 0 : i32
    %dma_wait3A_127 = tpu.memref_slice %arg2[%dma_wait3A_125, %dma_wait3A_126] : memref<7680x1024xf32, #tpu.memory_space<hbm>> -> memref<7680x1024xf32, #tpu.memory_space<hbm>>
    tpu.wait_indirect_dma semaphore(%arg7 : memref<!tpu.dma_semaphore, #tpu.memory_space<semaphore_mem>>) src(%dma_wait3A_127 : memref<7680x1024xf32, #tpu.memory_space<hbm>>) dst(%dma_wait3A_121 : memref<32x1024xf32, #tpu.memory_space<vmem>>)
    %add3A_128 = arith.constant 64 : i32
    %add3A_129 = arith.addi %mul3A_2, %add3A_128 : i32
    %dma_start3A_130 = arith.constant 2 : i32
    %dma_start3A_131 = arith.constant 0 : i32
    %dma_start3A_132 = arith.constant 0 : i32
    %dma_start3A_133 = tpu.memref_slice %arg6[%dma_start3A_130, %dma_start3A_131, %dma_start3A_132] : memref<3x32x1024xf32, #tpu.memory_space<vmem>> -> memref<1x32x1024xf32, #tpu.memory_space<vmem>>
    %dma_start3A_134 = tpu.memref_squeeze %dma_start3A_133 : memref<1x32x1024xf32, #tpu.memory_space<vmem>> -> memref<32x1024xf32, #tpu.memory_space<vmem>>
    %dma_start3A_135 = arith.constant 0 : i32
    %dma_start3A_136 = tpu.memref_slice %arg4[%add3A_129, %dma_start3A_135] : memref<4096x1024xf32, #tpu.memory_space<hbm>> -> memref<32x1024xf32, #tpu.memory_space<hbm>>
    %dma_start3A_137 = arith.constant 0 : i32
    %dma_start3A_138 = tpu.memref_slice %arg4[%add3A_129, %dma_start3A_137] : memref<4096x1024xf32, #tpu.memory_space<hbm>> -> memref<32x1024xf32, #tpu.memory_space<hbm>>
    %dma_start3A_139 = arith.constant 0 : i32
    %dma_start3A_140 = arith.constant 0 : i32
    %dma_start3A_141 = tpu.memref_slice %arg6[%dma_start3A_130, %dma_start3A_139, %dma_start3A_140] : memref<3x32x1024xf32, #tpu.memory_space<vmem>> -> memref<1x32x1024xf32, #tpu.memory_space<vmem>>
    %dma_start3A_142 = tpu.memref_squeeze %dma_start3A_141 : memref<1x32x1024xf32, #tpu.memory_space<vmem>> -> memref<32x1024xf32, #tpu.memory_space<vmem>>
    tpu.enqueue_dma source(%dma_start3A_142 : memref<32x1024xf32, #tpu.memory_space<vmem>>) target(%dma_start3A_138 : memref<32x1024xf32, #tpu.memory_space<hbm>>) target_semaphore(%arg8 : memref<!tpu.dma_semaphore, #tpu.memory_space<semaphore_mem>>)
    %dma_wait3A_143 = arith.constant 3 : i32
    %dma_wait3A_144 = arith.constant 0 : i32
    %dma_wait3A_145 = arith.constant 0 : i32
    %dma_wait3A_146 = arith.constant 0 : i32
    %dma_wait3A_147 = tpu.memref_slice %arg6[%dma_wait3A_144, %dma_wait3A_145, %dma_wait3A_146] : memref<3x32x1024xf32, #tpu.memory_space<vmem>> -> memref<1x32x1024xf32, #tpu.memory_space<vmem>>
    %dma_wait3A_148 = tpu.memref_squeeze %dma_wait3A_147 : memref<1x32x1024xf32, #tpu.memory_space<vmem>> -> memref<32x1024xf32, #tpu.memory_space<vmem>>
    %dma_wait3A_149 = arith.constant 0 : i32
    %dma_wait3A_150 = tpu.memref_slice %arg5[%dma_wait3A_143, %dma_wait3A_149] : memref<4x32xi32, #tpu.memory_space<vmem>> -> memref<1x32xi32, #tpu.memory_space<vmem>>
    %dma_wait3A_151 = tpu.memref_squeeze %dma_wait3A_150 : memref<1x32xi32, #tpu.memory_space<vmem>> -> memref<32xi32, #tpu.memory_space<vmem>>
    %dma_wait3A_152 = arith.constant 0 : i32
    %dma_wait3A_153 = arith.constant 0 : i32
    %dma_wait3A_154 = tpu.memref_slice %arg2[%dma_wait3A_152, %dma_wait3A_153] : memref<7680x1024xf32, #tpu.memory_space<hbm>> -> memref<7680x1024xf32, #tpu.memory_space<hbm>>
    tpu.wait_indirect_dma semaphore(%arg7 : memref<!tpu.dma_semaphore, #tpu.memory_space<semaphore_mem>>) src(%dma_wait3A_154 : memref<7680x1024xf32, #tpu.memory_space<hbm>>) dst(%dma_wait3A_148 : memref<32x1024xf32, #tpu.memory_space<vmem>>)
    %add3A_155 = arith.constant 96 : i32
    %add3A_156 = arith.addi %mul3A_2, %add3A_155 : i32
    %dma_start3A_157 = arith.constant 0 : i32
    %dma_start3A_158 = arith.constant 0 : i32
    %dma_start3A_159 = arith.constant 0 : i32
    %dma_start3A_160 = tpu.memref_slice %arg6[%dma_start3A_157, %dma_start3A_158, %dma_start3A_159] : memref<3x32x1024xf32, #tpu.memory_space<vmem>> -> memref<1x32x1024xf32, #tpu.memory_space<vmem>>
    %dma_start3A_161 = tpu.memref_squeeze %dma_start3A_160 : memref<1x32x1024xf32, #tpu.memory_space<vmem>> -> memref<32x1024xf32, #tpu.memory_space<vmem>>
    %dma_start3A_162 = arith.constant 0 : i32
    %dma_start3A_163 = tpu.memref_slice %arg4[%add3A_156, %dma_start3A_162] : memref<4096x1024xf32, #tpu.memory_space<hbm>> -> memref<32x1024xf32, #tpu.memory_space<hbm>>
    %dma_start3A_164 = arith.constant 0 : i32
    %dma_start3A_165 = tpu.memref_slice %arg4[%add3A_156, %dma_start3A_164] : memref<4096x1024xf32, #tpu.memory_space<hbm>> -> memref<32x1024xf32, #tpu.memory_space<hbm>>
    %dma_start3A_166 = arith.constant 0 : i32
    %dma_start3A_167 = arith.constant 0 : i32
    %dma_start3A_168 = tpu.memref_slice %arg6[%dma_start3A_157, %dma_start3A_166, %dma_start3A_167] : memref<3x32x1024xf32, #tpu.memory_space<vmem>> -> memref<1x32x1024xf32, #tpu.memory_space<vmem>>
    %dma_start3A_169 = tpu.memref_squeeze %dma_start3A_168 : memref<1x32x1024xf32, #tpu.memory_space<vmem>> -> memref<32x1024xf32, #tpu.memory_space<vmem>>
    tpu.enqueue_dma source(%dma_start3A_169 : memref<32x1024xf32, #tpu.memory_space<vmem>>) target(%dma_start3A_165 : memref<32x1024xf32, #tpu.memory_space<hbm>>) target_semaphore(%arg8 : memref<!tpu.dma_semaphore, #tpu.memory_space<semaphore_mem>>)
    %dma_wait3A_170 = arith.constant 1 : i32
    %dma_wait3A_171 = arith.constant 0 : i32
    %dma_wait3A_172 = arith.constant 0 : i32
    %dma_wait3A_173 = tpu.memref_slice %arg6[%dma_wait3A_170, %dma_wait3A_171, %dma_wait3A_172] : memref<3x32x1024xf32, #tpu.memory_space<vmem>> -> memref<1x32x1024xf32, #tpu.memory_space<vmem>>
    %dma_wait3A_174 = tpu.memref_squeeze %dma_wait3A_173 : memref<1x32x1024xf32, #tpu.memory_space<vmem>> -> memref<32x1024xf32, #tpu.memory_space<vmem>>
    %dma_wait3A_175 = arith.constant 0 : i32
    %dma_wait3A_176 = tpu.memref_slice %arg4[%add3A_102, %dma_wait3A_175] : memref<4096x1024xf32, #tpu.memory_space<hbm>> -> memref<32x1024xf32, #tpu.memory_space<hbm>>
    %dma_wait3A_177 = arith.constant 0 : i32
    %dma_wait3A_178 = tpu.memref_slice %arg4[%add3A_102, %dma_wait3A_177] : memref<4096x1024xf32, #tpu.memory_space<hbm>> -> memref<32x1024xf32, #tpu.memory_space<hbm>>
    %dma_wait3A_179 = arith.constant 0 : i32
    %dma_wait3A_180 = arith.constant 0 : i32
    %dma_wait3A_181 = tpu.memref_slice %arg6[%dma_wait3A_170, %dma_wait3A_179, %dma_wait3A_180] : memref<3x32x1024xf32, #tpu.memory_space<vmem>> -> memref<1x32x1024xf32, #tpu.memory_space<vmem>>
    %dma_wait3A_182 = tpu.memref_squeeze %dma_wait3A_181 : memref<1x32x1024xf32, #tpu.memory_space<vmem>> -> memref<32x1024xf32, #tpu.memory_space<vmem>>
    tpu.wait_dma2 semaphore(%arg8 : memref<!tpu.dma_semaphore, #tpu.memory_space<semaphore_mem>>) src(%dma_wait3A_182 : memref<32x1024xf32, #tpu.memory_space<vmem>>) dst(%dma_wait3A_178 : memref<32x1024xf32, #tpu.memory_space<hbm>>)
    %dma_wait3A_183 = arith.constant 2 : i32
    %dma_wait3A_184 = arith.constant 0 : i32
    %dma_wait3A_185 = arith.constant 0 : i32
    %dma_wait3A_186 = tpu.memref_slice %arg6[%dma_wait3A_183, %dma_wait3A_184, %dma_wait3A_185] : memref<3x32x1024xf32, #tpu.memory_space<vmem>> -> memref<1x32x1024xf32, #tpu.memory_space<vmem>>
    %dma_wait3A_187 = tpu.memref_squeeze %dma_wait3A_186 : memref<1x32x1024xf32, #tpu.memory_space<vmem>> -> memref<32x1024xf32, #tpu.memory_space<vmem>>
    %dma_wait3A_188 = arith.constant 0 : i32
    %dma_wait3A_189 = tpu.memref_slice %arg4[%add3A_129, %dma_wait3A_188] : memref<4096x1024xf32, #tpu.memory_space<hbm>> -> memref<32x1024xf32, #tpu.memory_space<hbm>>
    %dma_wait3A_190 = arith.constant 0 : i32
    %dma_wait3A_191 = tpu.memref_slice %arg4[%add3A_129, %dma_wait3A_190] : memref<4096x1024xf32, #tpu.memory_space<hbm>> -> memref<32x1024xf32, #tpu.memory_space<hbm>>
    %dma_wait3A_192 = arith.constant 0 : i32
    %dma_wait3A_193 = arith.constant 0 : i32
    %dma_wait3A_194 = tpu.memref_slice %arg6[%dma_wait3A_183, %dma_wait3A_192, %dma_wait3A_193] : memref<3x32x1024xf32, #tpu.memory_space<vmem>> -> memref<1x32x1024xf32, #tpu.memory_space<vmem>>
    %dma_wait3A_195 = tpu.memref_squeeze %dma_wait3A_194 : memref<1x32x1024xf32, #tpu.memory_space<vmem>> -> memref<32x1024xf32, #tpu.memory_space<vmem>>
    tpu.wait_dma2 semaphore(%arg8 : memref<!tpu.dma_semaphore, #tpu.memory_space<semaphore_mem>>) src(%dma_wait3A_195 : memref<32x1024xf32, #tpu.memory_space<vmem>>) dst(%dma_wait3A_191 : memref<32x1024xf32, #tpu.memory_space<hbm>>)
    %dma_wait3A_196 = arith.constant 0 : i32
    %dma_wait3A_197 = arith.constant 0 : i32
    %dma_wait3A_198 = arith.constant 0 : i32
    %dma_wait3A_199 = tpu.memref_slice %arg6[%dma_wait3A_196, %dma_wait3A_197, %dma_wait3A_198] : memref<3x32x1024xf32, #tpu.memory_space<vmem>> -> memref<1x32x1024xf32, #tpu.memory_space<vmem>>
    %dma_wait3A_200 = tpu.memref_squeeze %dma_wait3A_199 : memref<1x32x1024xf32, #tpu.memory_space<vmem>> -> memref<32x1024xf32, #tpu.memory_space<vmem>>
    %dma_wait3A_201 = arith.constant 0 : i32
    %dma_wait3A_202 = tpu.memref_slice %arg4[%add3A_156, %dma_wait3A_201] : memref<4096x1024xf32, #tpu.memory_space<hbm>> -> memref<32x1024xf32, #tpu.memory_space<hbm>>
    %dma_wait3A_203 = arith.constant 0 : i32
    %dma_wait3A_204 = tpu.memref_slice %arg4[%add3A_156, %dma_wait3A_203] : memref<4096x1024xf32, #tpu.memory_space<hbm>> -> memref<32x1024xf32, #tpu.memory_space<hbm>>
    %dma_wait3A_205 = arith.constant 0 : i32
    %dma_wait3A_206 = arith.constant 0 : i32
    %dma_wait3A_207 = tpu.memref_slice %arg6[%dma_wait3A_196, %dma_wait3A_205, %dma_wait3A_206] : memref<3x32x1024xf32, #tpu.memory_space<vmem>> -> memref<1x32x1024xf32, #tpu.memory_space<vmem>>
    %dma_wait3A_208 = tpu.memref_squeeze %dma_wait3A_207 : memref<1x32x1024xf32, #tpu.memory_space<vmem>> -> memref<32x1024xf32, #tpu.memory_space<vmem>>
    tpu.wait_dma2 semaphore(%arg8 : memref<!tpu.dma_semaphore, #tpu.memory_space<semaphore_mem>>) src(%dma_wait3A_208 : memref<32x1024xf32, #tpu.memory_space<vmem>>) dst(%dma_wait3A_204 : memref<32x1024xf32, #tpu.memory_space<hbm>>)
    return
  }
}

#map = affine_map<(d0, d1) -> (0, 0)>
#map1 = affine_map<(d0, d1) -> (0, 0, 0)>
module attributes {stable_mosaic.version = 14 : i64} {
  func.func @k2_scatter(%arg0: i32, %arg1: i32, %arg2: memref<4096x512xi32, #tpu.memory_space<hbm>>, %arg3: memref<32x4x32xi32, #tpu.memory_space<hbm>>, %arg4: memref<7680x512xi32, #tpu.memory_space<hbm>>, %arg5: memref<4x32xi32, #tpu.memory_space<vmem>>, %arg6: memref<3x32x512xi32, #tpu.memory_space<vmem>>, %arg7: memref<!tpu.dma_semaphore, #tpu.memory_space<semaphore_mem>>, %arg8: memref<!tpu.dma_semaphore, #tpu.memory_space<semaphore_mem>>) attributes {dimension_semantics = [#tpu.dimension_semantics<core_parallel>, #tpu.dimension_semantics<subcore_parallel>], iteration_bounds = array<i64: 2, 16>, scalar_prefetch = 0 : i64, scratch_operands = 4 : i64, tpu.core_type = #tpu.core_type<sc_vector_subcore>, window_params = [{transform_indices = #map}, {transform_indices = #map1}, {transform_indices = #map}]} {
    %mul3A = arith.constant 2 : i32
    %mul3A_0 = arith.muli %arg1, %mul3A : i32
    %add3A = arith.addi %mul3A_0, %arg0 : i32
    %mul3A_1 = arith.constant 128 : i32
    %mul3A_2 = arith.muli %add3A, %mul3A_1 : i32
    "tpu.region"() ({
      %run_scoped3A = tpu.sem_alloc : memref<!tpu.dma_semaphore, #tpu.memory_space<semaphore_mem>>
      %dma_start3A_209 = arith.constant 0 : i32
      %dma_start3A_210 = arith.constant 0 : i32
      %dma_start3A_211 = tpu.memref_slice %arg3[%add3A, %dma_start3A_209, %dma_start3A_210] : memref<32x4x32xi32, #tpu.memory_space<hbm>> -> memref<1x4x32xi32, #tpu.memory_space<hbm>>
      %dma_start3A_212 = tpu.memref_squeeze %dma_start3A_211 : memref<1x4x32xi32, #tpu.memory_space<hbm>> -> memref<4x32xi32, #tpu.memory_space<hbm>>
      %dma_start3A_213 = arith.constant 0 : i32
      %dma_start3A_214 = arith.constant 0 : i32
      %dma_start3A_215 = tpu.memref_slice %arg3[%add3A, %dma_start3A_213, %dma_start3A_214] : memref<32x4x32xi32, #tpu.memory_space<hbm>> -> memref<1x4x32xi32, #tpu.memory_space<hbm>>
      %dma_start3A_216 = tpu.memref_squeeze %dma_start3A_215 : memref<1x4x32xi32, #tpu.memory_space<hbm>> -> memref<4x32xi32, #tpu.memory_space<hbm>>
      tpu.enqueue_dma source(%dma_start3A_216 : memref<4x32xi32, #tpu.memory_space<hbm>>) target(%arg5 : memref<4x32xi32, #tpu.memory_space<vmem>>) target_semaphore(%run_scoped3A : memref<!tpu.dma_semaphore, #tpu.memory_space<semaphore_mem>>)
      %dma_wait3A_217 = arith.constant 0 : i32
      %dma_wait3A_218 = arith.constant 0 : i32
      %dma_wait3A_219 = tpu.memref_slice %arg3[%add3A, %dma_wait3A_217, %dma_wait3A_218] : memref<32x4x32xi32, #tpu.memory_space<hbm>> -> memref<1x4x32xi32, #tpu.memory_space<hbm>>
      %dma_wait3A_220 = tpu.memref_squeeze %dma_wait3A_219 : memref<1x4x32xi32, #tpu.memory_space<hbm>> -> memref<4x32xi32, #tpu.memory_space<hbm>>
      %dma_wait3A_221 = arith.constant 0 : i32
      %dma_wait3A_222 = arith.constant 0 : i32
      %dma_wait3A_223 = tpu.memref_slice %arg3[%add3A, %dma_wait3A_221, %dma_wait3A_222] : memref<32x4x32xi32, #tpu.memory_space<hbm>> -> memref<1x4x32xi32, #tpu.memory_space<hbm>>
      %dma_wait3A_224 = tpu.memref_squeeze %dma_wait3A_223 : memref<1x4x32xi32, #tpu.memory_space<hbm>> -> memref<4x32xi32, #tpu.memory_space<hbm>>
      tpu.wait_dma2 semaphore(%run_scoped3A : memref<!tpu.dma_semaphore, #tpu.memory_space<semaphore_mem>>) src(%dma_wait3A_224 : memref<4x32xi32, #tpu.memory_space<hbm>>) dst(%arg5 : memref<4x32xi32, #tpu.memory_space<vmem>>)
      tpu.yield
    }) : () -> ()
    %add3A_3 = arith.constant 0 : i32
    %add3A_4 = arith.addi %mul3A_2, %add3A_3 : i32
    %dma_start3A = arith.constant 0 : i32
    %dma_start3A_5 = arith.constant 0 : i32
    %dma_start3A_6 = arith.constant 0 : i32
    %dma_start3A_7 = tpu.memref_slice %arg6[%dma_start3A, %dma_start3A_5, %dma_start3A_6] : memref<3x32x512xi32, #tpu.memory_space<vmem>> -> memref<1x32x512xi32, #tpu.memory_space<vmem>>
    %dma_start3A_8 = tpu.memref_squeeze %dma_start3A_7 : memref<1x32x512xi32, #tpu.memory_space<vmem>> -> memref<32x512xi32, #tpu.memory_space<vmem>>
    %dma_start3A_9 = arith.constant 0 : i32
    %dma_start3A_10 = tpu.memref_slice %arg2[%add3A_4, %dma_start3A_9] : memref<4096x512xi32, #tpu.memory_space<hbm>> -> memref<32x512xi32, #tpu.memory_space<hbm>>
    %dma_start3A_11 = arith.constant 0 : i32
    %dma_start3A_12 = arith.constant 0 : i32
    %dma_start3A_13 = tpu.memref_slice %arg6[%dma_start3A, %dma_start3A_11, %dma_start3A_12] : memref<3x32x512xi32, #tpu.memory_space<vmem>> -> memref<1x32x512xi32, #tpu.memory_space<vmem>>
    %dma_start3A_14 = tpu.memref_squeeze %dma_start3A_13 : memref<1x32x512xi32, #tpu.memory_space<vmem>> -> memref<32x512xi32, #tpu.memory_space<vmem>>
    %dma_start3A_15 = arith.constant 0 : i32
    %dma_start3A_16 = tpu.memref_slice %arg2[%add3A_4, %dma_start3A_15] : memref<4096x512xi32, #tpu.memory_space<hbm>> -> memref<32x512xi32, #tpu.memory_space<hbm>>
    tpu.enqueue_dma source(%dma_start3A_16 : memref<32x512xi32, #tpu.memory_space<hbm>>) target(%dma_start3A_14 : memref<32x512xi32, #tpu.memory_space<vmem>>) target_semaphore(%arg7 : memref<!tpu.dma_semaphore, #tpu.memory_space<semaphore_mem>>)
    %add3A_17 = arith.constant 32 : i32
    %add3A_18 = arith.addi %mul3A_2, %add3A_17 : i32
    %dma_start3A_19 = arith.constant 1 : i32
    %dma_start3A_20 = arith.constant 0 : i32
    %dma_start3A_21 = arith.constant 0 : i32
    %dma_start3A_22 = tpu.memref_slice %arg6[%dma_start3A_19, %dma_start3A_20, %dma_start3A_21] : memref<3x32x512xi32, #tpu.memory_space<vmem>> -> memref<1x32x512xi32, #tpu.memory_space<vmem>>
    %dma_start3A_23 = tpu.memref_squeeze %dma_start3A_22 : memref<1x32x512xi32, #tpu.memory_space<vmem>> -> memref<32x512xi32, #tpu.memory_space<vmem>>
    %dma_start3A_24 = arith.constant 0 : i32
    %dma_start3A_25 = tpu.memref_slice %arg2[%add3A_18, %dma_start3A_24] : memref<4096x512xi32, #tpu.memory_space<hbm>> -> memref<32x512xi32, #tpu.memory_space<hbm>>
    %dma_start3A_26 = arith.constant 0 : i32
    %dma_start3A_27 = arith.constant 0 : i32
    %dma_start3A_28 = tpu.memref_slice %arg6[%dma_start3A_19, %dma_start3A_26, %dma_start3A_27] : memref<3x32x512xi32, #tpu.memory_space<vmem>> -> memref<1x32x512xi32, #tpu.memory_space<vmem>>
    %dma_start3A_29 = tpu.memref_squeeze %dma_start3A_28 : memref<1x32x512xi32, #tpu.memory_space<vmem>> -> memref<32x512xi32, #tpu.memory_space<vmem>>
    %dma_start3A_30 = arith.constant 0 : i32
    %dma_start3A_31 = tpu.memref_slice %arg2[%add3A_18, %dma_start3A_30] : memref<4096x512xi32, #tpu.memory_space<hbm>> -> memref<32x512xi32, #tpu.memory_space<hbm>>
    tpu.enqueue_dma source(%dma_start3A_31 : memref<32x512xi32, #tpu.memory_space<hbm>>) target(%dma_start3A_29 : memref<32x512xi32, #tpu.memory_space<vmem>>) target_semaphore(%arg7 : memref<!tpu.dma_semaphore, #tpu.memory_space<semaphore_mem>>)
    %add3A_32 = arith.constant 64 : i32
    %add3A_33 = arith.addi %mul3A_2, %add3A_32 : i32
    %dma_start3A_34 = arith.constant 2 : i32
    %dma_start3A_35 = arith.constant 0 : i32
    %dma_start3A_36 = arith.constant 0 : i32
    %dma_start3A_37 = tpu.memref_slice %arg6[%dma_start3A_34, %dma_start3A_35, %dma_start3A_36] : memref<3x32x512xi32, #tpu.memory_space<vmem>> -> memref<1x32x512xi32, #tpu.memory_space<vmem>>
    %dma_start3A_38 = tpu.memref_squeeze %dma_start3A_37 : memref<1x32x512xi32, #tpu.memory_space<vmem>> -> memref<32x512xi32, #tpu.memory_space<vmem>>
    %dma_start3A_39 = arith.constant 0 : i32
    %dma_start3A_40 = tpu.memref_slice %arg2[%add3A_33, %dma_start3A_39] : memref<4096x512xi32, #tpu.memory_space<hbm>> -> memref<32x512xi32, #tpu.memory_space<hbm>>
    %dma_start3A_41 = arith.constant 0 : i32
    %dma_start3A_42 = arith.constant 0 : i32
    %dma_start3A_43 = tpu.memref_slice %arg6[%dma_start3A_34, %dma_start3A_41, %dma_start3A_42] : memref<3x32x512xi32, #tpu.memory_space<vmem>> -> memref<1x32x512xi32, #tpu.memory_space<vmem>>
    %dma_start3A_44 = tpu.memref_squeeze %dma_start3A_43 : memref<1x32x512xi32, #tpu.memory_space<vmem>> -> memref<32x512xi32, #tpu.memory_space<vmem>>
    %dma_start3A_45 = arith.constant 0 : i32
    %dma_start3A_46 = tpu.memref_slice %arg2[%add3A_33, %dma_start3A_45] : memref<4096x512xi32, #tpu.memory_space<hbm>> -> memref<32x512xi32, #tpu.memory_space<hbm>>
    tpu.enqueue_dma source(%dma_start3A_46 : memref<32x512xi32, #tpu.memory_space<hbm>>) target(%dma_start3A_44 : memref<32x512xi32, #tpu.memory_space<vmem>>) target_semaphore(%arg7 : memref<!tpu.dma_semaphore, #tpu.memory_space<semaphore_mem>>)
    %dma_wait3A = arith.constant 0 : i32
    %dma_wait3A_47 = arith.constant 0 : i32
    %dma_wait3A_48 = arith.constant 0 : i32
    %dma_wait3A_49 = tpu.memref_slice %arg6[%dma_wait3A, %dma_wait3A_47, %dma_wait3A_48] : memref<3x32x512xi32, #tpu.memory_space<vmem>> -> memref<1x32x512xi32, #tpu.memory_space<vmem>>
    %dma_wait3A_50 = tpu.memref_squeeze %dma_wait3A_49 : memref<1x32x512xi32, #tpu.memory_space<vmem>> -> memref<32x512xi32, #tpu.memory_space<vmem>>
    %dma_wait3A_51 = arith.constant 0 : i32
    %dma_wait3A_52 = tpu.memref_slice %arg2[%add3A_4, %dma_wait3A_51] : memref<4096x512xi32, #tpu.memory_space<hbm>> -> memref<32x512xi32, #tpu.memory_space<hbm>>
    %dma_wait3A_53 = arith.constant 0 : i32
    %dma_wait3A_54 = arith.constant 0 : i32
    %dma_wait3A_55 = tpu.memref_slice %arg6[%dma_wait3A, %dma_wait3A_53, %dma_wait3A_54] : memref<3x32x512xi32, #tpu.memory_space<vmem>> -> memref<1x32x512xi32, #tpu.memory_space<vmem>>
    %dma_wait3A_56 = tpu.memref_squeeze %dma_wait3A_55 : memref<1x32x512xi32, #tpu.memory_space<vmem>> -> memref<32x512xi32, #tpu.memory_space<vmem>>
    %dma_wait3A_57 = arith.constant 0 : i32
    %dma_wait3A_58 = tpu.memref_slice %arg2[%add3A_4, %dma_wait3A_57] : memref<4096x512xi32, #tpu.memory_space<hbm>> -> memref<32x512xi32, #tpu.memory_space<hbm>>
    tpu.wait_dma2 semaphore(%arg7 : memref<!tpu.dma_semaphore, #tpu.memory_space<semaphore_mem>>) src(%dma_wait3A_58 : memref<32x512xi32, #tpu.memory_space<hbm>>) dst(%dma_wait3A_56 : memref<32x512xi32, #tpu.memory_space<vmem>>)
    %dma_start3A_59 = arith.constant 0 : i32
    %dma_start3A_60 = arith.constant 0 : i32
    %dma_start3A_61 = arith.constant 0 : i32
    %dma_start3A_62 = arith.constant 0 : i32
    %dma_start3A_63 = tpu.memref_slice %arg6[%dma_start3A_59, %dma_start3A_61, %dma_start3A_62] : memref<3x32x512xi32, #tpu.memory_space<vmem>> -> memref<1x32x512xi32, #tpu.memory_space<vmem>>
    %dma_start3A_64 = tpu.memref_squeeze %dma_start3A_63 : memref<1x32x512xi32, #tpu.memory_space<vmem>> -> memref<32x512xi32, #tpu.memory_space<vmem>>
    %dma_start3A_65 = arith.constant 0 : i32
    %dma_start3A_66 = tpu.memref_slice %arg5[%dma_start3A_60, %dma_start3A_65] : memref<4x32xi32, #tpu.memory_space<vmem>> -> memref<1x32xi32, #tpu.memory_space<vmem>>
    %dma_start3A_67 = tpu.memref_squeeze %dma_start3A_66 : memref<1x32xi32, #tpu.memory_space<vmem>> -> memref<32xi32, #tpu.memory_space<vmem>>
    %dma_start3A_68 = arith.constant 0 : i32
    %dma_start3A_69 = arith.constant 0 : i32
    %dma_start3A_70 = tpu.memref_slice %arg4[%dma_start3A_68, %dma_start3A_69] : memref<7680x512xi32, #tpu.memory_space<hbm>> -> memref<7680x512xi32, #tpu.memory_space<hbm>>
    tpu.enqueue_indirect_dma source(%dma_start3A_64 : memref<32x512xi32, #tpu.memory_space<vmem>>) target(%dma_start3A_70 : memref<7680x512xi32, #tpu.memory_space<hbm>>) offsets(%dma_start3A_67 : memref<32xi32, #tpu.memory_space<vmem>>) semaphore(%arg8 : memref<!tpu.dma_semaphore, #tpu.memory_space<semaphore_mem>>)
    %dma_wait3A_71 = arith.constant 0 : i32
    %dma_wait3A_72 = arith.constant 0 : i32
    %dma_wait3A_73 = arith.constant 0 : i32
    %dma_wait3A_74 = arith.constant 0 : i32
    %dma_wait3A_75 = tpu.memref_slice %arg6[%dma_wait3A_71, %dma_wait3A_73, %dma_wait3A_74] : memref<3x32x512xi32, #tpu.memory_space<vmem>> -> memref<1x32x512xi32, #tpu.memory_space<vmem>>
    %dma_wait3A_76 = tpu.memref_squeeze %dma_wait3A_75 : memref<1x32x512xi32, #tpu.memory_space<vmem>> -> memref<32x512xi32, #tpu.memory_space<vmem>>
    %dma_wait3A_77 = arith.constant 0 : i32
    %dma_wait3A_78 = tpu.memref_slice %arg5[%dma_wait3A_72, %dma_wait3A_77] : memref<4x32xi32, #tpu.memory_space<vmem>> -> memref<1x32xi32, #tpu.memory_space<vmem>>
    %dma_wait3A_79 = tpu.memref_squeeze %dma_wait3A_78 : memref<1x32xi32, #tpu.memory_space<vmem>> -> memref<32xi32, #tpu.memory_space<vmem>>
    %dma_wait3A_80 = arith.constant 0 : i32
    %dma_wait3A_81 = arith.constant 0 : i32
    %dma_wait3A_82 = tpu.memref_slice %arg4[%dma_wait3A_80, %dma_wait3A_81] : memref<7680x512xi32, #tpu.memory_space<hbm>> -> memref<7680x512xi32, #tpu.memory_space<hbm>>
    tpu.wait_indirect_dma semaphore(%arg8 : memref<!tpu.dma_semaphore, #tpu.memory_space<semaphore_mem>>) src(%dma_wait3A_76 : memref<32x512xi32, #tpu.memory_space<vmem>>) dst(%dma_wait3A_82 : memref<7680x512xi32, #tpu.memory_space<hbm>>)
    %add3A_83 = arith.constant 96 : i32
    %add3A_84 = arith.addi %mul3A_2, %add3A_83 : i32
    %dma_start3A_85 = arith.constant 0 : i32
    %dma_start3A_86 = arith.constant 0 : i32
    %dma_start3A_87 = arith.constant 0 : i32
    %dma_start3A_88 = tpu.memref_slice %arg6[%dma_start3A_85, %dma_start3A_86, %dma_start3A_87] : memref<3x32x512xi32, #tpu.memory_space<vmem>> -> memref<1x32x512xi32, #tpu.memory_space<vmem>>
    %dma_start3A_89 = tpu.memref_squeeze %dma_start3A_88 : memref<1x32x512xi32, #tpu.memory_space<vmem>> -> memref<32x512xi32, #tpu.memory_space<vmem>>
    %dma_start3A_90 = arith.constant 0 : i32
    %dma_start3A_91 = tpu.memref_slice %arg2[%add3A_84, %dma_start3A_90] : memref<4096x512xi32, #tpu.memory_space<hbm>> -> memref<32x512xi32, #tpu.memory_space<hbm>>
    %dma_start3A_92 = arith.constant 0 : i32
    %dma_start3A_93 = arith.constant 0 : i32
    %dma_start3A_94 = tpu.memref_slice %arg6[%dma_start3A_85, %dma_start3A_92, %dma_start3A_93] : memref<3x32x512xi32, #tpu.memory_space<vmem>> -> memref<1x32x512xi32, #tpu.memory_space<vmem>>
    %dma_start3A_95 = tpu.memref_squeeze %dma_start3A_94 : memref<1x32x512xi32, #tpu.memory_space<vmem>> -> memref<32x512xi32, #tpu.memory_space<vmem>>
    %dma_start3A_96 = arith.constant 0 : i32
    %dma_start3A_97 = tpu.memref_slice %arg2[%add3A_84, %dma_start3A_96] : memref<4096x512xi32, #tpu.memory_space<hbm>> -> memref<32x512xi32, #tpu.memory_space<hbm>>
    tpu.enqueue_dma source(%dma_start3A_97 : memref<32x512xi32, #tpu.memory_space<hbm>>) target(%dma_start3A_95 : memref<32x512xi32, #tpu.memory_space<vmem>>) target_semaphore(%arg7 : memref<!tpu.dma_semaphore, #tpu.memory_space<semaphore_mem>>)
    %dma_wait3A_98 = arith.constant 1 : i32
    %dma_wait3A_99 = arith.constant 0 : i32
    %dma_wait3A_100 = arith.constant 0 : i32
    %dma_wait3A_101 = tpu.memref_slice %arg6[%dma_wait3A_98, %dma_wait3A_99, %dma_wait3A_100] : memref<3x32x512xi32, #tpu.memory_space<vmem>> -> memref<1x32x512xi32, #tpu.memory_space<vmem>>
    %dma_wait3A_102 = tpu.memref_squeeze %dma_wait3A_101 : memref<1x32x512xi32, #tpu.memory_space<vmem>> -> memref<32x512xi32, #tpu.memory_space<vmem>>
    %dma_wait3A_103 = arith.constant 0 : i32
    %dma_wait3A_104 = tpu.memref_slice %arg2[%add3A_18, %dma_wait3A_103] : memref<4096x512xi32, #tpu.memory_space<hbm>> -> memref<32x512xi32, #tpu.memory_space<hbm>>
    %dma_wait3A_105 = arith.constant 0 : i32
    %dma_wait3A_106 = arith.constant 0 : i32
    %dma_wait3A_107 = tpu.memref_slice %arg6[%dma_wait3A_98, %dma_wait3A_105, %dma_wait3A_106] : memref<3x32x512xi32, #tpu.memory_space<vmem>> -> memref<1x32x512xi32, #tpu.memory_space<vmem>>
    %dma_wait3A_108 = tpu.memref_squeeze %dma_wait3A_107 : memref<1x32x512xi32, #tpu.memory_space<vmem>> -> memref<32x512xi32, #tpu.memory_space<vmem>>
    %dma_wait3A_109 = arith.constant 0 : i32
    %dma_wait3A_110 = tpu.memref_slice %arg2[%add3A_18, %dma_wait3A_109] : memref<4096x512xi32, #tpu.memory_space<hbm>> -> memref<32x512xi32, #tpu.memory_space<hbm>>
    tpu.wait_dma2 semaphore(%arg7 : memref<!tpu.dma_semaphore, #tpu.memory_space<semaphore_mem>>) src(%dma_wait3A_110 : memref<32x512xi32, #tpu.memory_space<hbm>>) dst(%dma_wait3A_108 : memref<32x512xi32, #tpu.memory_space<vmem>>)
    %dma_start3A_111 = arith.constant 1 : i32
    %dma_start3A_112 = arith.constant 1 : i32
    %dma_start3A_113 = arith.constant 0 : i32
    %dma_start3A_114 = arith.constant 0 : i32
    %dma_start3A_115 = tpu.memref_slice %arg6[%dma_start3A_111, %dma_start3A_113, %dma_start3A_114] : memref<3x32x512xi32, #tpu.memory_space<vmem>> -> memref<1x32x512xi32, #tpu.memory_space<vmem>>
    %dma_start3A_116 = tpu.memref_squeeze %dma_start3A_115 : memref<1x32x512xi32, #tpu.memory_space<vmem>> -> memref<32x512xi32, #tpu.memory_space<vmem>>
    %dma_start3A_117 = arith.constant 0 : i32
    %dma_start3A_118 = tpu.memref_slice %arg5[%dma_start3A_112, %dma_start3A_117] : memref<4x32xi32, #tpu.memory_space<vmem>> -> memref<1x32xi32, #tpu.memory_space<vmem>>
    %dma_start3A_119 = tpu.memref_squeeze %dma_start3A_118 : memref<1x32xi32, #tpu.memory_space<vmem>> -> memref<32xi32, #tpu.memory_space<vmem>>
    %dma_start3A_120 = arith.constant 0 : i32
    %dma_start3A_121 = arith.constant 0 : i32
    %dma_start3A_122 = tpu.memref_slice %arg4[%dma_start3A_120, %dma_start3A_121] : memref<7680x512xi32, #tpu.memory_space<hbm>> -> memref<7680x512xi32, #tpu.memory_space<hbm>>
    tpu.enqueue_indirect_dma source(%dma_start3A_116 : memref<32x512xi32, #tpu.memory_space<vmem>>) target(%dma_start3A_122 : memref<7680x512xi32, #tpu.memory_space<hbm>>) offsets(%dma_start3A_119 : memref<32xi32, #tpu.memory_space<vmem>>) semaphore(%arg8 : memref<!tpu.dma_semaphore, #tpu.memory_space<semaphore_mem>>)
    %dma_wait3A_123 = arith.constant 2 : i32
    %dma_wait3A_124 = arith.constant 0 : i32
    %dma_wait3A_125 = arith.constant 0 : i32
    %dma_wait3A_126 = tpu.memref_slice %arg6[%dma_wait3A_123, %dma_wait3A_124, %dma_wait3A_125] : memref<3x32x512xi32, #tpu.memory_space<vmem>> -> memref<1x32x512xi32, #tpu.memory_space<vmem>>
    %dma_wait3A_127 = tpu.memref_squeeze %dma_wait3A_126 : memref<1x32x512xi32, #tpu.memory_space<vmem>> -> memref<32x512xi32, #tpu.memory_space<vmem>>
    %dma_wait3A_128 = arith.constant 0 : i32
    %dma_wait3A_129 = tpu.memref_slice %arg2[%add3A_33, %dma_wait3A_128] : memref<4096x512xi32, #tpu.memory_space<hbm>> -> memref<32x512xi32, #tpu.memory_space<hbm>>
    %dma_wait3A_130 = arith.constant 0 : i32
    %dma_wait3A_131 = arith.constant 0 : i32
    %dma_wait3A_132 = tpu.memref_slice %arg6[%dma_wait3A_123, %dma_wait3A_130, %dma_wait3A_131] : memref<3x32x512xi32, #tpu.memory_space<vmem>> -> memref<1x32x512xi32, #tpu.memory_space<vmem>>
    %dma_wait3A_133 = tpu.memref_squeeze %dma_wait3A_132 : memref<1x32x512xi32, #tpu.memory_space<vmem>> -> memref<32x512xi32, #tpu.memory_space<vmem>>
    %dma_wait3A_134 = arith.constant 0 : i32
    %dma_wait3A_135 = tpu.memref_slice %arg2[%add3A_33, %dma_wait3A_134] : memref<4096x512xi32, #tpu.memory_space<hbm>> -> memref<32x512xi32, #tpu.memory_space<hbm>>
    tpu.wait_dma2 semaphore(%arg7 : memref<!tpu.dma_semaphore, #tpu.memory_space<semaphore_mem>>) src(%dma_wait3A_135 : memref<32x512xi32, #tpu.memory_space<hbm>>) dst(%dma_wait3A_133 : memref<32x512xi32, #tpu.memory_space<vmem>>)
    %dma_start3A_136 = arith.constant 2 : i32
    %dma_start3A_137 = arith.constant 2 : i32
    %dma_start3A_138 = arith.constant 0 : i32
    %dma_start3A_139 = arith.constant 0 : i32
    %dma_start3A_140 = tpu.memref_slice %arg6[%dma_start3A_136, %dma_start3A_138, %dma_start3A_139] : memref<3x32x512xi32, #tpu.memory_space<vmem>> -> memref<1x32x512xi32, #tpu.memory_space<vmem>>
    %dma_start3A_141 = tpu.memref_squeeze %dma_start3A_140 : memref<1x32x512xi32, #tpu.memory_space<vmem>> -> memref<32x512xi32, #tpu.memory_space<vmem>>
    %dma_start3A_142 = arith.constant 0 : i32
    %dma_start3A_143 = tpu.memref_slice %arg5[%dma_start3A_137, %dma_start3A_142] : memref<4x32xi32, #tpu.memory_space<vmem>> -> memref<1x32xi32, #tpu.memory_space<vmem>>
    %dma_start3A_144 = tpu.memref_squeeze %dma_start3A_143 : memref<1x32xi32, #tpu.memory_space<vmem>> -> memref<32xi32, #tpu.memory_space<vmem>>
    %dma_start3A_145 = arith.constant 0 : i32
    %dma_start3A_146 = arith.constant 0 : i32
    %dma_start3A_147 = tpu.memref_slice %arg4[%dma_start3A_145, %dma_start3A_146] : memref<7680x512xi32, #tpu.memory_space<hbm>> -> memref<7680x512xi32, #tpu.memory_space<hbm>>
    tpu.enqueue_indirect_dma source(%dma_start3A_141 : memref<32x512xi32, #tpu.memory_space<vmem>>) target(%dma_start3A_147 : memref<7680x512xi32, #tpu.memory_space<hbm>>) offsets(%dma_start3A_144 : memref<32xi32, #tpu.memory_space<vmem>>) semaphore(%arg8 : memref<!tpu.dma_semaphore, #tpu.memory_space<semaphore_mem>>)
    %dma_wait3A_148 = arith.constant 0 : i32
    %dma_wait3A_149 = arith.constant 0 : i32
    %dma_wait3A_150 = arith.constant 0 : i32
    %dma_wait3A_151 = tpu.memref_slice %arg6[%dma_wait3A_148, %dma_wait3A_149, %dma_wait3A_150] : memref<3x32x512xi32, #tpu.memory_space<vmem>> -> memref<1x32x512xi32, #tpu.memory_space<vmem>>
    %dma_wait3A_152 = tpu.memref_squeeze %dma_wait3A_151 : memref<1x32x512xi32, #tpu.memory_space<vmem>> -> memref<32x512xi32, #tpu.memory_space<vmem>>
    %dma_wait3A_153 = arith.constant 0 : i32
    %dma_wait3A_154 = tpu.memref_slice %arg2[%add3A_84, %dma_wait3A_153] : memref<4096x512xi32, #tpu.memory_space<hbm>> -> memref<32x512xi32, #tpu.memory_space<hbm>>
    %dma_wait3A_155 = arith.constant 0 : i32
    %dma_wait3A_156 = arith.constant 0 : i32
    %dma_wait3A_157 = tpu.memref_slice %arg6[%dma_wait3A_148, %dma_wait3A_155, %dma_wait3A_156] : memref<3x32x512xi32, #tpu.memory_space<vmem>> -> memref<1x32x512xi32, #tpu.memory_space<vmem>>
    %dma_wait3A_158 = tpu.memref_squeeze %dma_wait3A_157 : memref<1x32x512xi32, #tpu.memory_space<vmem>> -> memref<32x512xi32, #tpu.memory_space<vmem>>
    %dma_wait3A_159 = arith.constant 0 : i32
    %dma_wait3A_160 = tpu.memref_slice %arg2[%add3A_84, %dma_wait3A_159] : memref<4096x512xi32, #tpu.memory_space<hbm>> -> memref<32x512xi32, #tpu.memory_space<hbm>>
    tpu.wait_dma2 semaphore(%arg7 : memref<!tpu.dma_semaphore, #tpu.memory_space<semaphore_mem>>) src(%dma_wait3A_160 : memref<32x512xi32, #tpu.memory_space<hbm>>) dst(%dma_wait3A_158 : memref<32x512xi32, #tpu.memory_space<vmem>>)
    %dma_start3A_161 = arith.constant 0 : i32
    %dma_start3A_162 = arith.constant 3 : i32
    %dma_start3A_163 = arith.constant 0 : i32
    %dma_start3A_164 = arith.constant 0 : i32
    %dma_start3A_165 = tpu.memref_slice %arg6[%dma_start3A_161, %dma_start3A_163, %dma_start3A_164] : memref<3x32x512xi32, #tpu.memory_space<vmem>> -> memref<1x32x512xi32, #tpu.memory_space<vmem>>
    %dma_start3A_166 = tpu.memref_squeeze %dma_start3A_165 : memref<1x32x512xi32, #tpu.memory_space<vmem>> -> memref<32x512xi32, #tpu.memory_space<vmem>>
    %dma_start3A_167 = arith.constant 0 : i32
    %dma_start3A_168 = tpu.memref_slice %arg5[%dma_start3A_162, %dma_start3A_167] : memref<4x32xi32, #tpu.memory_space<vmem>> -> memref<1x32xi32, #tpu.memory_space<vmem>>
    %dma_start3A_169 = tpu.memref_squeeze %dma_start3A_168 : memref<1x32xi32, #tpu.memory_space<vmem>> -> memref<32xi32, #tpu.memory_space<vmem>>
    %dma_start3A_170 = arith.constant 0 : i32
    %dma_start3A_171 = arith.constant 0 : i32
    %dma_start3A_172 = tpu.memref_slice %arg4[%dma_start3A_170, %dma_start3A_171] : memref<7680x512xi32, #tpu.memory_space<hbm>> -> memref<7680x512xi32, #tpu.memory_space<hbm>>
    tpu.enqueue_indirect_dma source(%dma_start3A_166 : memref<32x512xi32, #tpu.memory_space<vmem>>) target(%dma_start3A_172 : memref<7680x512xi32, #tpu.memory_space<hbm>>) offsets(%dma_start3A_169 : memref<32xi32, #tpu.memory_space<vmem>>) semaphore(%arg8 : memref<!tpu.dma_semaphore, #tpu.memory_space<semaphore_mem>>)
    %dma_wait3A_173 = arith.constant 1 : i32
    %dma_wait3A_174 = arith.constant 1 : i32
    %dma_wait3A_175 = arith.constant 0 : i32
    %dma_wait3A_176 = arith.constant 0 : i32
    %dma_wait3A_177 = tpu.memref_slice %arg6[%dma_wait3A_173, %dma_wait3A_175, %dma_wait3A_176] : memref<3x32x512xi32, #tpu.memory_space<vmem>> -> memref<1x32x512xi32, #tpu.memory_space<vmem>>
    %dma_wait3A_178 = tpu.memref_squeeze %dma_wait3A_177 : memref<1x32x512xi32, #tpu.memory_space<vmem>> -> memref<32x512xi32, #tpu.memory_space<vmem>>
    %dma_wait3A_179 = arith.constant 0 : i32
    %dma_wait3A_180 = tpu.memref_slice %arg5[%dma_wait3A_174, %dma_wait3A_179] : memref<4x32xi32, #tpu.memory_space<vmem>> -> memref<1x32xi32, #tpu.memory_space<vmem>>
    %dma_wait3A_181 = tpu.memref_squeeze %dma_wait3A_180 : memref<1x32xi32, #tpu.memory_space<vmem>> -> memref<32xi32, #tpu.memory_space<vmem>>
    %dma_wait3A_182 = arith.constant 0 : i32
    %dma_wait3A_183 = arith.constant 0 : i32
    %dma_wait3A_184 = tpu.memref_slice %arg4[%dma_wait3A_182, %dma_wait3A_183] : memref<7680x512xi32, #tpu.memory_space<hbm>> -> memref<7680x512xi32, #tpu.memory_space<hbm>>
    tpu.wait_indirect_dma semaphore(%arg8 : memref<!tpu.dma_semaphore, #tpu.memory_space<semaphore_mem>>) src(%dma_wait3A_178 : memref<32x512xi32, #tpu.memory_space<vmem>>) dst(%dma_wait3A_184 : memref<7680x512xi32, #tpu.memory_space<hbm>>)
    %dma_wait3A_185 = arith.constant 2 : i32
    %dma_wait3A_186 = arith.constant 2 : i32
    %dma_wait3A_187 = arith.constant 0 : i32
    %dma_wait3A_188 = arith.constant 0 : i32
    %dma_wait3A_189 = tpu.memref_slice %arg6[%dma_wait3A_185, %dma_wait3A_187, %dma_wait3A_188] : memref<3x32x512xi32, #tpu.memory_space<vmem>> -> memref<1x32x512xi32, #tpu.memory_space<vmem>>
    %dma_wait3A_190 = tpu.memref_squeeze %dma_wait3A_189 : memref<1x32x512xi32, #tpu.memory_space<vmem>> -> memref<32x512xi32, #tpu.memory_space<vmem>>
    %dma_wait3A_191 = arith.constant 0 : i32
    %dma_wait3A_192 = tpu.memref_slice %arg5[%dma_wait3A_186, %dma_wait3A_191] : memref<4x32xi32, #tpu.memory_space<vmem>> -> memref<1x32xi32, #tpu.memory_space<vmem>>
    %dma_wait3A_193 = tpu.memref_squeeze %dma_wait3A_192 : memref<1x32xi32, #tpu.memory_space<vmem>> -> memref<32xi32, #tpu.memory_space<vmem>>
    %dma_wait3A_194 = arith.constant 0 : i32
    %dma_wait3A_195 = arith.constant 0 : i32
    %dma_wait3A_196 = tpu.memref_slice %arg4[%dma_wait3A_194, %dma_wait3A_195] : memref<7680x512xi32, #tpu.memory_space<hbm>> -> memref<7680x512xi32, #tpu.memory_space<hbm>>
    tpu.wait_indirect_dma semaphore(%arg8 : memref<!tpu.dma_semaphore, #tpu.memory_space<semaphore_mem>>) src(%dma_wait3A_190 : memref<32x512xi32, #tpu.memory_space<vmem>>) dst(%dma_wait3A_196 : memref<7680x512xi32, #tpu.memory_space<hbm>>)
    %dma_wait3A_197 = arith.constant 0 : i32
    %dma_wait3A_198 = arith.constant 3 : i32
    %dma_wait3A_199 = arith.constant 0 : i32
    %dma_wait3A_200 = arith.constant 0 : i32
    %dma_wait3A_201 = tpu.memref_slice %arg6[%dma_wait3A_197, %dma_wait3A_199, %dma_wait3A_200] : memref<3x32x512xi32, #tpu.memory_space<vmem>> -> memref<1x32x512xi32, #tpu.memory_space<vmem>>
    %dma_wait3A_202 = tpu.memref_squeeze %dma_wait3A_201 : memref<1x32x512xi32, #tpu.memory_space<vmem>> -> memref<32x512xi32, #tpu.memory_space<vmem>>
    %dma_wait3A_203 = arith.constant 0 : i32
    %dma_wait3A_204 = tpu.memref_slice %arg5[%dma_wait3A_198, %dma_wait3A_203] : memref<4x32xi32, #tpu.memory_space<vmem>> -> memref<1x32xi32, #tpu.memory_space<vmem>>
    %dma_wait3A_205 = tpu.memref_squeeze %dma_wait3A_204 : memref<1x32xi32, #tpu.memory_space<vmem>> -> memref<32xi32, #tpu.memory_space<vmem>>
    %dma_wait3A_206 = arith.constant 0 : i32
    %dma_wait3A_207 = arith.constant 0 : i32
    %dma_wait3A_208 = tpu.memref_slice %arg4[%dma_wait3A_206, %dma_wait3A_207] : memref<7680x512xi32, #tpu.memory_space<hbm>> -> memref<7680x512xi32, #tpu.memory_space<hbm>>
    tpu.wait_indirect_dma semaphore(%arg8 : memref<!tpu.dma_semaphore, #tpu.memory_space<semaphore_mem>>) src(%dma_wait3A_202 : memref<32x512xi32, #tpu.memory_space<vmem>>) dst(%dma_wait3A_208 : memref<7680x512xi32, #tpu.memory_space<hbm>>)
    return
  }
}

module attributes {stable_mosaic.version = 14 : i64} {
  func.func @_k1_body(%arg0: i32, %arg1: memref<1024x1024xf32, #tpu.memory_space<vmem>>, %arg2: memref<8x1024xf32, #tpu.memory_space<vmem>>, %arg3: memref<1024x1xi32, #tpu.memory_space<vmem>>, %arg4: memref<1024x512xi32, #tpu.memory_space<vmem>>, %arg5: memref<4096x1xi32, #tpu.memory_space<vmem>>, %arg6: memref<1x128xi32, #tpu.memory_space<vmem>>, %arg7: memref<1x128xf32, #tpu.memory_space<vmem>>, %arg8: memref<4096x128xf32, #tpu.memory_space<vmem>>, %arg9: memref<4096x1xf32, #tpu.memory_space<vmem>>) attributes {dimension_semantics = [#tpu.dimension_semantics<arbitrary>], iteration_bounds = array<i64: 5>, scalar_prefetch = 0 : i64, scratch_operands = 3 : i64, tpu.core_type = #tpu.core_type<tc>, window_params = [{transform_indices = @transform_0, window_bounds = array<i64: 1024, 1024>}, {pipeline_mode = #tpu.pipeline_mode<synchronous>, transform_indices = @transform_1, window_bounds = array<i64: 8, 1024>}, {transform_indices = @transform_2, window_bounds = array<i64: 1024, 1>}, {transform_indices = @transform_3, window_bounds = array<i64: 1024, 512>}, {pipeline_mode = #tpu.pipeline_mode<synchronous>, transform_indices = @transform_4, window_bounds = array<i64: 4096, 1>}, {pipeline_mode = #tpu.pipeline_mode<synchronous>, transform_indices = @transform_5, window_bounds = array<i64: 1, 128>}]} {
    %eq3A = arith.constant 0 : i32
    %eq3A_0 = arith.cmpi eq, %arg0, %eq3A : i32
    %convert_element_type3A = arith.extui %eq3A_0 : i1 to i32
    %cond3A = arith.constant 0 : i32
    %cond3A_1 = arith.cmpi ne, %convert_element_type3A, %cond3A : i32
    scf.if %cond3A_1 {
      %broadcast_in_dim3A = arith.constant 0.000000e+00 : f32
      %broadcast_in_dim3A_11 = vector.broadcast %broadcast_in_dim3A : f32 to vector<1x128xf32>
      %swap3A = arith.constant 0 : index
      %swap3A_12 = arith.constant 0 : index
      %swap3A_13 = vector.load %arg7[%swap3A, %swap3A_12] : memref<1x128xf32, #tpu.memory_space<vmem>>, vector<1x128xf32>
      tpu.vector_store %arg7[%swap3A, %swap3A_12], %broadcast_in_dim3A_11 {strides = array<i32>} : memref<1x128xf32, #tpu.memory_space<vmem>>, vector<1x128xf32>,
    } else {
    }
    %lt3A = arith.constant 4 : i32
    %lt3A_2 = arith.cmpi slt, %arg0, %lt3A : i32
    %convert_element_type3A_3 = arith.extui %lt3A_2 : i1 to i32
    %cond3A_4 = arith.constant 0 : i32
    %cond3A_5 = arith.cmpi ne, %convert_element_type3A_3, %cond3A_4 : i32
    scf.if %cond3A_5 {
      %get3A = arith.constant 0 : index
      %get3A_11 = arith.constant 0 : index
      %get3A_12 = vector.load %arg1[%get3A, %get3A_11] : memref<1024x1024xf32, #tpu.memory_space<vmem>>, vector<1024x1024xf32>
      %convert_element_type3A_13 = arith.truncf %get3A_12 : vector<1024x1024xf32> to vector<1024x1024xbf16>
      %bitcast_convert_type3A = tpu.bitcast %convert_element_type3A_13 : vector<1024x1024xbf16> -> vector<1024x1024xi16>
      %convert_element_type3A_14 = arith.extui %bitcast_convert_type3A : vector<1024x1024xi16> to vector<1024x1024xi32>
      %slice3A = vector.extract_strided_slice %convert_element_type3A_14 {offsets = [0, 0], sizes = [1024, 512], strides = [1, 1]} : vector<1024x1024xi32> to vector<1024x512xi32>
      %slice3A_15 = vector.extract_strided_slice %convert_element_type3A_14 {offsets = [0, 512], sizes = [1024, 512], strides = [1, 1]} : vector<1024x1024xi32> to vector<1024x512xi32>
      %shift_left3A = arith.constant 16 : i32
      %shift_left3A_16 = vector.broadcast %shift_left3A : i32 to vector<1024x512xi32>
      %shift_left3A_17 = arith.shli %slice3A_15, %shift_left3A_16 : vector<1024x512xi32>
      %or3A = arith.ori %slice3A, %shift_left3A_17 : vector<1024x512xi32>
      %swap3A = arith.constant 0 : index
      %swap3A_18 = arith.constant 0 : index
      %swap3A_19 = vector.load %arg4[%swap3A, %swap3A_18] : memref<1024x512xi32, #tpu.memory_space<vmem>>, vector<1024x512xi32>
      tpu.vector_store %arg4[%swap3A, %swap3A_18], %or3A {strides = array<i32>} : memref<1024x512xi32, #tpu.memory_space<vmem>>, vector<1024x512xi32>,
      %get3A_20 = arith.constant 0 : index
      %get3A_21 = arith.constant 0 : index
      %get3A_22 = vector.load %arg2[%get3A_20, %get3A_21] : memref<8x1024xf32, #tpu.memory_space<vmem>>, vector<8x1024xf32>
      %gt3A = arith.constant 3.000000e-01 : f32
      %gt3A_23 = vector.broadcast %gt3A : f32 to vector<8x1024xf32>
      %gt3A_24 = arith.cmpf ogt, %get3A_22, %gt3A_23 : vector<8x1024xf32>
      %lt3A_25 = arith.constant -3.000000e-01 : f32
      %lt3A_26 = vector.broadcast %lt3A_25 : f32 to vector<8x1024xf32>
      %lt3A_27 = arith.cmpf olt, %get3A_22, %lt3A_26 : vector<8x1024xf32>
      %jit3A = arith.constant -1.000000e+00 : f32
      %jit3A_28 = arith.constant 0.000000e+00 : f32
      %broadcast_in_dim3A = vector.broadcast %jit3A : f32 to vector<8x1024xf32>
      %broadcast_in_dim3A_29 = vector.broadcast %jit3A_28 : f32 to vector<8x1024xf32>
      %select_n3A = arith.select %lt3A_27, %broadcast_in_dim3A, %broadcast_in_dim3A_29 : vector<8x1024xi1>, vector<8x1024xf32>
      %jit3A_30 = arith.constant 1.000000e+00 : f32
      %broadcast_in_dim3A_31 = vector.broadcast %jit3A_30 : f32 to vector<8x1024xf32>
      %select_n3A_32 = arith.select %gt3A_24, %broadcast_in_dim3A_31, %select_n3A : vector<8x1024xi1>, vector<8x1024xf32>
      %dot_general3A = arith.constant dense<0.000000e+00> : vector<1024x8xf32>
      %dot_general3A_33 = tpu.matmul %get3A_12, %select_n3A_32, %dot_general3A {dimension_numbers = #tpu.dot_dimension_numbers<[1], [1], [0], [0], [0, 0, 1, 0], [], []>, transpose_lhs_hint = false} : vector<1024x1024xf32>, vector<8x1024xf32>, vector<1024x8xf32> -> vector<1024x8xf32>
      %argmax3A = tpu.reduce_index %dot_general3A_33 {axis = 1 : i32, kind = #tpu.reduction_kind<arg_max>} : vector<1024x8xf32> -> vector<1024xi32>
      %broadcast_in_dim3A_34 = vector.shape_cast %argmax3A : vector<1024xi32> to vector<1024x1xi32>
      %swap3A_35 = arith.constant 0 : index
      %swap3A_36 = arith.constant 0 : index
      %swap3A_37 = vector.load %arg3[%swap3A_35, %swap3A_36] : memref<1024x1xi32, #tpu.memory_space<vmem>>, vector<1024x1xi32>
      tpu.vector_store %arg3[%swap3A_35, %swap3A_36], %broadcast_in_dim3A_34 {strides = array<i32>} : memref<1024x1xi32, #tpu.memory_space<vmem>>, vector<1024x1xi32>,
      %iota3A = tpu.iota {dimensions = array<i32: 1>} : vector<1024x128xi32>
      %broadcast_in_dim3A_38 = vector.shape_cast %argmax3A : vector<1024xi32> to vector<1024x1xi32>
      %eq3A_39 = vector.broadcast %broadcast_in_dim3A_38 : vector<1024x1xi32> to vector<1024x128xi32>
      %eq3A_40 = arith.cmpi eq, %eq3A_39, %iota3A : vector<1024x128xi32>
      %convert_element_type3A_41 = arith.extui %eq3A_40 : vector<1024x128xi1> to vector<1024x128xi32>
      %convert_element_type3A_42 = arith.sitofp %convert_element_type3A_41 : vector<1024x128xi32> to vector<1024x128xf32>
      %iota3A_43 = tpu.iota {dimensions = array<i32: 0>} : vector<1024x1024xi32>
      %iota3A_44 = tpu.iota {dimensions = array<i32: 1>} : vector<1024x1024xi32>
      %lt3A_45 = arith.cmpi slt, %iota3A_44, %iota3A_43 : vector<1024x1024xi32>
      %convert_element_type3A_46 = arith.extui %lt3A_45 : vector<1024x1024xi1> to vector<1024x1024xi32>
      %convert_element_type3A_47 = arith.sitofp %convert_element_type3A_46 : vector<1024x1024xi32> to vector<1024x1024xf32>
      %dot_general3A_48 = arith.constant dense<0.000000e+00> : vector<1024x128xf32>
      %dot_general3A_49 = tpu.matmul %convert_element_type3A_47, %convert_element_type3A_42, %dot_general3A_48 {dimension_numbers = #tpu.dot_dimension_numbers<[1], [0], [0], [1], [0, 0, 1, 1], [], []>, transpose_lhs_hint = false} : vector<1024x1024xf32>, vector<1024x128xf32>, vector<1024x128xf32> -> vector<1024x128xf32>
      %get3A_50 = arith.constant 0 : index
      %get3A_51 = arith.constant 0 : index
      %get3A_52 = vector.load %arg7[%get3A_50, %get3A_51] : memref<1x128xf32, #tpu.memory_space<vmem>>, vector<1x128xf32>
      %add3A = vector.broadcast %get3A_52 : vector<1x128xf32> to vector<1024x128xf32>
      %add3A_53 = arith.addf %dot_general3A_49, %add3A : vector<1024x128xf32>
      %mul3A = arith.mulf %add3A_53, %convert_element_type3A_42 : vector<1024x128xf32>
      %reduce_sum3A = arith.constant dense<0.000000e+00> : vector<1024xf32>
      %reduce_sum3A_54 = vector.multi_reduction <add>, %mul3A, %reduce_sum3A [1] : vector<1024x128xf32> to vector<1024xf32>
      %mul3A_55 = arith.constant 1024 : i32
      %mul3A_56 = arith.muli %arg0, %mul3A_55 : i32
      %swap3A_57 = arith.index_cast %mul3A_56 : i32 to index
      %swap3A_58 = arith.constant 0 : index
      %swap3A_59 = vector.load %arg8[%swap3A_57, %swap3A_58] : memref<4096x128xf32, #tpu.memory_space<vmem>>, vector<1024x128xf32>
      tpu.vector_store %arg8[%swap3A_57, %swap3A_58], %convert_element_type3A_42 {strides = array<i32>} : memref<4096x128xf32, #tpu.memory_space<vmem>>, vector<1024x128xf32>,
      %broadcast_in_dim3A_60 = vector.shape_cast %reduce_sum3A_54 : vector<1024xf32> to vector<1024x1xf32>
      %mul3A_61 = arith.constant 1024 : i32
      %mul3A_62 = arith.muli %arg0, %mul3A_61 : i32
      %swap3A_63 = arith.index_cast %mul3A_62 : i32 to index
      %swap3A_64 = arith.constant 0 : index
      %swap3A_65 = vector.load %arg9[%swap3A_63, %swap3A_64] : memref<4096x1xf32, #tpu.memory_space<vmem>>, vector<1024x1xf32>
      tpu.vector_store %arg9[%swap3A_63, %swap3A_64], %broadcast_in_dim3A_60 {strides = array<i32>} : memref<4096x1xf32, #tpu.memory_space<vmem>>, vector<1024x1xf32>,
      %reduce_sum3A_66 = arith.constant dense<0.000000e+00> : vector<128xf32>
      %reduce_sum3A_67 = vector.multi_reduction <add>, %convert_element_type3A_42, %reduce_sum3A_66 [0] : vector<1024x128xf32> to vector<128xf32>
      %broadcast_in_dim3A_68 = vector.shape_cast %reduce_sum3A_67 : vector<128xf32> to vector<1x128xf32>
      %add3A_69 = arith.addf %get3A_52, %broadcast_in_dim3A_68 : vector<1x128xf32>
      %swap3A_70 = arith.constant 0 : index
      %swap3A_71 = arith.constant 0 : index
      %swap3A_72 = vector.load %arg7[%swap3A_70, %swap3A_71] : memref<1x128xf32, #tpu.memory_space<vmem>>, vector<1x128xf32>
      tpu.vector_store %arg7[%swap3A_70, %swap3A_71], %add3A_69 {strides = array<i32>} : memref<1x128xf32, #tpu.memory_space<vmem>>, vector<1x128xf32>,
    } else {
    }
    %eq3A_6 = arith.constant 4 : i32
    %eq3A_7 = arith.cmpi eq, %arg0, %eq3A_6 : i32
    %convert_element_type3A_8 = arith.extui %eq3A_7 : i1 to i32
    %cond3A_9 = arith.constant 0 : i32
    %cond3A_10 = arith.cmpi ne, %convert_element_type3A_8, %cond3A_9 : i32
    scf.if %cond3A_10 {
      %get3A = arith.constant 0 : index
      %get3A_11 = arith.constant 0 : index
      %get3A_12 = vector.load %arg7[%get3A, %get3A_11] : memref<1x128xf32, #tpu.memory_space<vmem>>, vector<1x128xf32>
      %div3A = arith.constant 5.120000e+02 : f32
      %div3A_13 = vector.broadcast %div3A : f32 to vector<1x128xf32>
      %div3A_14 = arith.divf %get3A_12, %div3A_13 : vector<1x128xf32>
      %ceil3A = math.ceil %div3A_14 : vector<1x128xf32>
      %mul3A = arith.constant 5.120000e+02 : f32
      %mul3A_15 = vector.broadcast %mul3A : f32 to vector<1x128xf32>
      %mul3A_16 = arith.mulf %ceil3A, %mul3A_15 : vector<1x128xf32>
      %iota3A = tpu.iota {dimensions = array<i32: 0>} : vector<128x128xi32>
      %iota3A_17 = tpu.iota {dimensions = array<i32: 1>} : vector<128x128xi32>
      %lt3A_18 = arith.cmpi slt, %iota3A, %iota3A_17 : vector<128x128xi32>
      %convert_element_type3A_19 = arith.extui %lt3A_18 : vector<128x128xi1> to vector<128x128xi32>
      %convert_element_type3A_20 = arith.sitofp %convert_element_type3A_19 : vector<128x128xi32> to vector<128x128xf32>
      %dot_general3A = arith.constant dense<0.000000e+00> : vector<1x128xf32>
      %dot_general3A_21 = tpu.matmul %mul3A_16, %convert_element_type3A_20, %dot_general3A {dimension_numbers = #tpu.dot_dimension_numbers<[1], [0], [0], [1], [0, 0, 1, 1], [], []>, transpose_lhs_hint = false} : vector<1x128xf32>, vector<128x128xf32>, vector<1x128xf32> -> vector<1x128xf32>
      %eq3A_22 = arith.cmpi eq, %iota3A, %iota3A_17 : vector<128x128xi32>
      %convert_element_type3A_23 = arith.extui %eq3A_22 : vector<128x128xi1> to vector<128x128xi32>
      %convert_element_type3A_24 = arith.sitofp %convert_element_type3A_23 : vector<128x128xi32> to vector<128x128xf32>
      %mul3A_25 = arith.constant 0.001953125 : f32
      %mul3A_26 = vector.broadcast %mul3A_25 : f32 to vector<1x128xf32>
      %mul3A_27 = arith.mulf %dot_general3A_21, %mul3A_26 : vector<1x128xf32>
      %dot_general3A_28 = arith.constant dense<0.000000e+00> : vector<128x1xf32>
      %dot_general3A_29 = tpu.matmul %convert_element_type3A_24, %mul3A_27, %dot_general3A_28 {dimension_numbers = #tpu.dot_dimension_numbers<[1], [1], [0], [0], [0, 0, 1, 0], [], []>, transpose_lhs_hint = false} : vector<128x128xf32>, vector<1x128xf32>, vector<128x1xf32> -> vector<128x1xf32>
      %convert_element_type3A_30 = arith.sitofp %iota3A_17 : vector<128x128xi32> to vector<128x128xf32>
      %ge3A = vector.broadcast %dot_general3A_29 : vector<128x1xf32> to vector<128x128xf32>
      %ge3A_31 = arith.cmpf oge, %convert_element_type3A_30, %ge3A : vector<128x128xf32>
      %convert_element_type3A_32 = arith.extui %ge3A_31 : vector<128x128xi1> to vector<128x128xi32>
      %convert_element_type3A_33 = arith.sitofp %convert_element_type3A_32 : vector<128x128xi32> to vector<128x128xf32>
      %reduce_sum3A = arith.constant dense<0.000000e+00> : vector<128xf32>
      %reduce_sum3A_34 = vector.multi_reduction <add>, %convert_element_type3A_33, %reduce_sum3A [0] : vector<128x128xf32> to vector<128xf32>
      %broadcast_in_dim3A = vector.shape_cast %reduce_sum3A_34 : vector<128xf32> to vector<1x128xf32>
      %sub3A = arith.constant 1.000000e+00 : f32
      %sub3A_35 = vector.broadcast %sub3A : f32 to vector<1x128xf32>
      %sub3A_36 = arith.subf %broadcast_in_dim3A, %sub3A_35 : vector<1x128xf32>
      %jit3A = arith.constant 0.000000e+00 : f32
      %jit3A_37 = arith.constant 7.000000e+00 : f32
      %max3A = vector.broadcast %jit3A : f32 to vector<1x128xf32>
      %max3A_38 = arith.maximumf %max3A, %sub3A_36 : vector<1x128xf32>
      %min3A = vector.broadcast %jit3A_37 : f32 to vector<1x128xf32>
      %min3A_39 = arith.minimumf %min3A, %max3A_38 : vector<1x128xf32>
      %iota3A_40 = tpu.iota {dimensions = array<i32: 1>} : vector<1x128xi32>
      %eq3A_41 = arith.constant 64 : i32
      %eq3A_42 = vector.broadcast %eq3A_41 : i32 to vector<1x128xi32>
      %eq3A_43 = arith.cmpi eq, %iota3A_40, %eq3A_42 : vector<1x128xi32>
      %slice3A = vector.extract_strided_slice %dot_general3A_29 {offsets = [8, 0], sizes = [1, 1], strides = [1, 1]} : vector<128x1xf32> to vector<1x1xf32>
      %squeeze3A = vector.extract %slice3A[0, 0] : f32 from vector<1x1xf32>
      %broadcast_in_dim3A_44 = vector.broadcast %squeeze3A : f32 to vector<1x128xf32>
      %select_n3A = arith.select %eq3A_43, %broadcast_in_dim3A_44, %min3A_39 : vector<1x128xi1>, vector<1x128xf32>
      %convert_element_type3A_45 = arith.fptosi %select_n3A : vector<1x128xf32> to vector<1x128xi32>
      %swap3A = arith.constant 0 : index
      %swap3A_46 = arith.constant 0 : index
      %swap3A_47 = vector.load %arg6[%swap3A, %swap3A_46] : memref<1x128xi32, #tpu.memory_space<vmem>>, vector<1x128xi32>
      tpu.vector_store %arg6[%swap3A, %swap3A_46], %convert_element_type3A_45 {strides = array<i32>} : memref<1x128xi32, #tpu.memory_space<vmem>>, vector<1x128xi32>,
      %get3A_48 = arith.constant 0 : index
      %get3A_49 = arith.constant 0 : index
      %get3A_50 = vector.load %arg8[%get3A_48, %get3A_49] : memref<4096x128xf32, #tpu.memory_space<vmem>>, vector<4096x128xf32>
      %dot_general3A_51 = arith.constant dense<0.000000e+00> : vector<4096x1xf32>
      %dot_general3A_52 = tpu.matmul %get3A_50, %dot_general3A_21, %dot_general3A_51 {dimension_numbers = #tpu.dot_dimension_numbers<[1], [1], [0], [0], [0, 0, 1, 0], [], []>, transpose_lhs_hint = false} : vector<4096x128xf32>, vector<1x128xf32>, vector<4096x1xf32> -> vector<4096x1xf32>
      %get3A_53 = arith.constant 0 : index
      %get3A_54 = arith.constant 0 : index
      %get3A_55 = vector.load %arg9[%get3A_53, %get3A_54] : memref<4096x1xf32, #tpu.memory_space<vmem>>, vector<4096x1xf32>
      %add3A = arith.addf %get3A_55, %dot_general3A_52 : vector<4096x1xf32>
      %convert_element_type3A_56 = arith.fptosi %add3A : vector<4096x1xf32> to vector<4096x1xi32>
      %swap3A_57 = arith.constant 0 : index
      %swap3A_58 = arith.constant 0 : index
      %swap3A_59 = vector.load %arg5[%swap3A_57, %swap3A_58] : memref<4096x1xi32, #tpu.memory_space<vmem>>, vector<4096x1xi32>
      tpu.vector_store %arg5[%swap3A_57, %swap3A_58], %convert_element_type3A_56 {strides = array<i32>} : memref<4096x1xi32, #tpu.memory_space<vmem>>, vector<4096x1xi32>,
    } else {
    }
    return
  }
  func.func @transform_0(%arg0: i32) -> (i32, i32) {
    %min3A = arith.constant 3 : i32
    %min3A_0 = arith.minsi %arg0, %min3A : i32
    %c0_i32 = arith.constant 0 : i32
    %c0_i32_1 = arith.constant 0 : i32
    return %min3A_0, %c0_i32 : i32, i32
  }
  func.func @transform_1(%arg0: i32) -> (i32, i32) {
    %c0_i32 = arith.constant 0 : i32
    %c0_i32_0 = arith.constant 0 : i32
    %c0_i32_1 = arith.constant 0 : i32
    return %c0_i32, %c0_i32_0 : i32, i32
  }
  func.func @transform_2(%arg0: i32) -> (i32, i32) {
    %min3A = arith.constant 3 : i32
    %min3A_0 = arith.minsi %arg0, %min3A : i32
    %c0_i32 = arith.constant 0 : i32
    %c0_i32_1 = arith.constant 0 : i32
    return %min3A_0, %c0_i32 : i32, i32
  }
  func.func @transform_3(%arg0: i32) -> (i32, i32) {
    %min3A = arith.constant 3 : i32
    %min3A_0 = arith.minsi %arg0, %min3A : i32
    %c0_i32 = arith.constant 0 : i32
    %c0_i32_1 = arith.constant 0 : i32
    return %min3A_0, %c0_i32 : i32, i32
  }
  func.func @transform_4(%arg0: i32) -> (i32, i32) {
    %c0_i32 = arith.constant 0 : i32
    %c0_i32_0 = arith.constant 0 : i32
    %c0_i32_1 = arith.constant 0 : i32
    return %c0_i32, %c0_i32_0 : i32, i32
  }
  func.func @transform_5(%arg0: i32) -> (i32, i32) {
    %c0_i32 = arith.constant 0 : i32
    %c0_i32_0 = arith.constant 0 : i32
    %c0_i32_1 = arith.constant 0 : i32
    return %c0_i32, %c0_i32_0 : i32, i32
  }
}

module attributes {stable_mosaic.version = 14 : i64} {
  func.func @_k3_body(%arg0: i32, %arg1: memref<128xi32, #tpu.memory_space<smem>>, %arg2: memref<512x512xi32, #tpu.memory_space<vmem>>, %arg3: memref<1x1000x1024xf32, #tpu.memory_space<vmem>>, %arg4: memref<1x1x1000xf32, #tpu.memory_space<vmem>>, %arg5: memref<512x1024xf32, #tpu.memory_space<vmem>>, %arg6: memref<1024x1024xbf16, #tpu.memory_space<vmem>>) attributes {dimension_semantics = [#tpu.dimension_semantics<arbitrary>], iteration_bounds = array<i64: 15>, scalar_prefetch = 1 : i64, scratch_operands = 1 : i64, tpu.core_type = #tpu.core_type<tc>, window_params = [{transform_indices = @transform_0, window_bounds = array<i64: 512, 512>}, {transform_indices = @transform_1, window_bounds = array<i64: 1, 1000, 1024>}, {transform_indices = @transform_2, window_bounds = array<i64: 1, 1, 1000>}, {transform_indices = @transform_3, window_bounds = array<i64: 512, 1024>}]} {
    %eq3A = arith.constant 0 : i32
    %eq3A_0 = arith.cmpi eq, %arg0, %eq3A : i32
    %convert_element_type3A = arith.extui %eq3A_0 : i1 to i32
    %cond3A = arith.constant 0 : i32
    %cond3A_1 = arith.cmpi ne, %convert_element_type3A, %cond3A : i32
    scf.if %cond3A_1 {
      %broadcast_in_dim3A = arith.constant 0.000000e+00 : bf16
      %broadcast_in_dim3A_6 = vector.broadcast %broadcast_in_dim3A : bf16 to vector<24x1024xbf16>
      %swap3A = arith.constant 1000 : index
      %swap3A_7 = arith.constant 0 : index
      %swap3A_8 = vector.load %arg6[%swap3A, %swap3A_7] : memref<1024x1024xbf16, #tpu.memory_space<vmem>>, vector<24x1024xbf16>
      tpu.vector_store %arg6[%swap3A, %swap3A_7], %broadcast_in_dim3A_6 {strides = array<i32>} : memref<1024x1024xbf16, #tpu.memory_space<vmem>>, vector<24x1024xbf16>,
    } else {
    }
    %get3A = arith.constant 64 : index
    %get3A_2 = memref.load %arg1[%get3A] : memref<128xi32, #tpu.memory_space<smem>>
    %lt3A = arith.cmpi slt, %arg0, %get3A_2 : i32
    %convert_element_type3A_3 = arith.extui %lt3A : i1 to i32
    %cond3A_4 = arith.constant 0 : i32
    %cond3A_5 = arith.cmpi ne, %convert_element_type3A_3, %cond3A_4 : i32
    scf.if %cond3A_5 {
      %sub3A = arith.constant 1 : i32
      %sub3A_6 = arith.subi %arg0, %sub3A : i32
      %max3A = arith.constant 0 : i32
      %max3A_7 = arith.maxsi %sub3A_6, %max3A : i32
      %get3A_8 = arith.index_cast %max3A_7 : i32 to index
      %get3A_9 = memref.load %arg1[%get3A_8] : memref<128xi32, #tpu.memory_space<smem>>
      %eq3A_10 = arith.constant 0 : i32
      %eq3A_11 = arith.cmpi eq, %arg0, %eq3A_10 : i32
      %get3A_12 = arith.index_cast %arg0 : i32 to index
      %get3A_13 = memref.load %arg1[%get3A_12] : memref<128xi32, #tpu.memory_space<smem>>
      %ne3A = arith.cmpi ne, %get3A_13, %get3A_9 : i32
      %or3A = arith.ori %eq3A_11, %ne3A : i1
      %convert_element_type3A_14 = arith.extui %or3A : i1 to i32
      %cond3A_15 = arith.constant 0 : i32
      %cond3A_16 = arith.cmpi ne, %convert_element_type3A_14, %cond3A_15 : i32
      scf.if %cond3A_16 {
        %get3A_40 = arith.constant 0 : index
        %get3A_41 = arith.constant 0 : index
        %get3A_42 = arith.constant 0 : index
        %get3A_43 = vector.load %arg3[%get3A_40, %get3A_41, %get3A_42] : memref<1x1000x1024xf32, #tpu.memory_space<vmem>>, vector<1x1000x1024xf32>
        %get3A_44 = vector.shape_cast %get3A_43 : vector<1x1000x1024xf32> to vector<1000x1024xf32>
        %convert_element_type3A_45 = arith.truncf %get3A_44 : vector<1000x1024xf32> to vector<1000x1024xbf16>
        %swap3A_46 = arith.constant 0 : index
        %swap3A_47 = arith.constant 0 : index
        %swap3A_48 = vector.load %arg6[%swap3A_46, %swap3A_47] : memref<1024x1024xbf16, #tpu.memory_space<vmem>>, vector<1000x1024xbf16>
        tpu.vector_store %arg6[%swap3A_46, %swap3A_47], %convert_element_type3A_45 {strides = array<i32>} : memref<1024x1024xbf16, #tpu.memory_space<vmem>>, vector<1000x1024xbf16>,
      } else {
      }
      %get3A_17 = arith.constant 0 : index
      %get3A_18 = arith.constant 0 : index
      %get3A_19 = vector.load %arg2[%get3A_17, %get3A_18] : memref<512x512xi32, #tpu.memory_space<vmem>>, vector<512x512xi32>
      %shift_left3A = arith.constant 16 : i32
      %shift_left3A_20 = vector.broadcast %shift_left3A : i32 to vector<512x512xi32>
      %shift_left3A_21 = arith.shli %get3A_19, %shift_left3A_20 : vector<512x512xi32>
      %bitcast_convert_type3A = tpu.bitcast %shift_left3A_21 : vector<512x512xi32> -> vector<512x512xf32>
      %and3A = arith.constant -65536 : i32
      %and3A_22 = vector.broadcast %and3A : i32 to vector<512x512xi32>
      %and3A_23 = arith.andi %get3A_19, %and3A_22 : vector<512x512xi32>
      %bitcast_convert_type3A_24 = tpu.bitcast %and3A_23 : vector<512x512xi32> -> vector<512x512xf32>
      %concatenate3A = tpu.concatenate %bitcast_convert_type3A, %bitcast_convert_type3A_24 in 1 : vector<512x512xf32>, vector<512x512xf32> -> vector<512x1024xf32>
      %convert_element_type3A_25 = arith.truncf %concatenate3A : vector<512x1024xf32> to vector<512x1024xbf16>
      %get3A_26 = arith.constant 0 : index
      %get3A_27 = arith.constant 0 : index
      %get3A_28 = arith.constant 0 : index
      %get3A_29 = vector.load %arg4[%get3A_26, %get3A_27, %get3A_28] : memref<1x1x1000xf32, #tpu.memory_space<vmem>>, vector<1x1x1000xf32>
      %get3A_30 = vector.shape_cast %get3A_29 : vector<1x1x1000xf32> to vector<1x1000xf32>
      %jit3A = arith.constant 0 : i32
      %convert_element_type3A_31 = arith.sitofp %jit3A : i32 to f32
      %pad3A = vector.broadcast %convert_element_type3A_31 : f32 to vector<1x24xf32>
      %pad3A_32 = tpu.concatenate %get3A_30, %pad3A in 1 : vector<1x1000xf32>, vector<1x24xf32> -> vector<1x1024xf32>
      %get3A_33 = arith.constant 0 : index
      %get3A_34 = arith.constant 0 : index
      %get3A_35 = vector.load %arg6[%get3A_33, %get3A_34] : memref<1024x1024xbf16, #tpu.memory_space<vmem>>, vector<1024x1024xbf16>
      %dot_general3A = arith.constant dense<0.000000e+00> : vector<512x1024xf32>
      %dot_general3A_36 = tpu.matmul %convert_element_type3A_25, %get3A_35, %dot_general3A {dimension_numbers = #tpu.dot_dimension_numbers<[1], [1], [0], [0], [0, 0, 1, 0], [], []>, transpose_lhs_hint = false} : vector<512x1024xbf16>, vector<1024x1024xbf16>, vector<512x1024xf32> -> vector<512x1024xf32>
      %add3A = vector.broadcast %pad3A_32 : vector<1x1024xf32> to vector<512x1024xf32>
      %add3A_37 = arith.addf %dot_general3A_36, %add3A : vector<512x1024xf32>
      %swap3A = arith.constant 0 : index
      %swap3A_38 = arith.constant 0 : index
      %swap3A_39 = vector.load %arg5[%swap3A, %swap3A_38] : memref<512x1024xf32, #tpu.memory_space<vmem>>, vector<512x1024xf32>
      tpu.vector_store %arg5[%swap3A, %swap3A_38], %add3A_37 {strides = array<i32>} : memref<512x1024xf32, #tpu.memory_space<vmem>>, vector<512x1024xf32>,
    } else {
    }
    return
  }
  func.func @transform_0(%arg0: i32, %arg1: memref<128xi32, #tpu.memory_space<smem>>) -> (i32, i32) {
    %c0_i32 = arith.constant 0 : i32
    %c0_i32_0 = arith.constant 0 : i32
    return %arg0, %c0_i32 : i32, i32
  }
  func.func @transform_1(%arg0: i32, %arg1: memref<128xi32, #tpu.memory_space<smem>>) -> (i32, i32, i32) {
    %get3A = arith.index_cast %arg0 : i32 to index
    %get3A_0 = memref.load %arg1[%get3A] : memref<128xi32, #tpu.memory_space<smem>>
    %c0_i32 = arith.constant 0 : i32
    %c0_i32_1 = arith.constant 0 : i32
    %c0_i32_2 = arith.constant 0 : i32
    return %get3A_0, %c0_i32, %c0_i32_1 : i32, i32, i32
  }
  func.func @transform_2(%arg0: i32, %arg1: memref<128xi32, #tpu.memory_space<smem>>) -> (i32, i32, i32) {
    %get3A = arith.index_cast %arg0 : i32 to index
    %get3A_0 = memref.load %arg1[%get3A] : memref<128xi32, #tpu.memory_space<smem>>
    %c0_i32 = arith.constant 0 : i32
    %c0_i32_1 = arith.constant 0 : i32
    %c0_i32_2 = arith.constant 0 : i32
    return %get3A_0, %c0_i32, %c0_i32_1 : i32, i32, i32
  }
  func.func @transform_3(%arg0: i32, %arg1: memref<128xi32, #tpu.memory_space<smem>>) -> (i32, i32) {
    %c0_i32 = arith.constant 0 : i32
    %c0_i32_0 = arith.constant 0 : i32
    return %arg0, %c0_i32 : i32, i32
  }
}

</mosaic_0001>

<sc_bundles>
// kernel: kernel.6.cloned.1.call-start
scs
__scs_entry_jumppad:
0x0: {  	(pc) =	sbr.rel $0x88, $3  }
0x1: {  	(tag) =	ssettag $0x0;
	lr =	simm.s32 $0x1  }
0x2: {  	[smem:$0x3F9D] =	sst lr;
	_ =	strace $0xD0000000  }
0x3: {  	_ = 	snop  }
0x4: {  	_ = 	snop  }
0x5: {  	_ = 	snop  }
0x6: {  	_ = 	snop  }
0x7: {  	_ = 	snop  }
__scs_overlays_trampoline_lowered:
0x8: {  	[smem:$0x3FAC] =	sst s0  }
0x9: {  	[smem:$0x3FAD] =	sst s1  }
0xa: {  	[smem:$0x3FAE] =	sst s2  }
0xb: {  	[smem:$0x3FAF] =	sst s3  }
0xc: {  	[smem:$0x3FB0] =	sst s4  }
0xd: {  	[smem:$0x3FB1] =	sst s5  }
0xe: {  	[smem:$0x3FB2] =	sst s6  }
0xf: {  	[smem:$0x3FB3] =	sst s7  }
0x10: {  	[smem:$0x3FB4] =	sst s8  }
0x11: {  	[smem:$0x3FB5] =	sst s9;
	s0 =	simm.s32 @!p0 $0x0  }
0x12: {  	s1 =	sld [smem:$0x3F9B];
	s0 =	simm.s32 @p0 $0x1  }
0x13: {  	[smem:$0x3FB6] =	sst s0;
	s0 =	simm.s32 @!p1 $0x0  }
0x14: {  	s2 =	sld [smem:$0x3F9A];
	s0 =	simm.s32 @p1 $0x1  }
0x15: {  	[smem:$0x3FB7] =	sst s0;
	s0 =	simm.s32 @!p2 $0x0  }
0x16: {  	s3 =	sld [smem:$0x3FDB];
	s0 =	simm.s32 @p2 $0x1  }
0x17: {  	s4 =	simm.s32 $0x1BF5;
	[smem:$0x3FB9] =	sst s0  }
0x18: {  	s0 =	sld [smem:$0x3F9C];
	_ =	swait.ge [sflag:s4], $0x0  }
0x19: {  	s7 =	sld [smem:$0x3F9D]  }
0x1a: {  	s8 =	sadd.s32 $0xFFFFE003, lr  }
0x1b: {  	s9 =	sadd.s32 $0xFFFFFEF7, lr;
	s5 =	simm.s32 $0xFFFFFFFF;
	p2 =	slt.u32 s8, $0xFFFFF086  }
0x1c: {  	p1 =	slt.u32 s9, $0xF7A;
	s5 =	simm.s32 @!p2 $0x0  }
0x1d: {  	s5 =	simm.s32 @p1 $0x1;
	p0 =	seq.s32 s7, s2  }
0x1e: {  	s7 =	smul.u32 @!p0 $0xF7A, s2;
	p2 =	seq.s32 @!p0 s5, $0x0  }
0x1f: {  	s9 =	smul.u32 $0xF7A, s1;
	s8 =	simm.s32 @!p0 $0x1BF5;
	p2 =	por !p2, p0  }
0x20: {  	[sflag:s8] =	ssyncset.s32 @!p0 $0xFFFFF086;
	s6 =	sadd.s32 @!p0 s3, s7;
	s7 =	simm.s32 @!p0 $0x108  }
0x21: {  	s3 =	sadd.s32 s3, s9;
	s6 =	sadd.s32 @!p0 $0x88, s6;
	s7 =	simm.s32 @p2 $0x1082  }
0x22: {  	[simem:s7], [sflag:s8] =	dma.local @!p0 [hbm:s6], $0xF7A  }
0x23: {  	s9 =	sor.u32 $0xD0000000, s2;
	s6 =	simm.s32 $0x108;
	_ =	swait.ge @!p0 [sflag:s8], $0x0  }
0x24: {  	s3 =	sadd.s32 $0x88, s3;
	s6 =	simm.s32 @!p1 $0x1082;
	[sflag:s4] =	ssyncset.s32 $0xFFFFF086  }
0x25: {  	[simem:s6], [sflag:s4] =	dma.local [hbm:s3], $0xF7A  }
0x26: {  	[smem:$0x3F9D] =	sst s1;
	(tag) =	ssettag s2;
	_ =	strace s9  }
0x27: {  	s1 =	sld [smem:$0x3FAD]  }
0x28: {  	s2 =	sld [smem:$0x3FAE]  }
0x29: {  	s4 =	sld [smem:$0x3FB0]  }
0x2a: {  	p0 =	seq.s32 s5, $0x0;
	s5 =	sld [smem:$0x3FB1]  }
0x2b: {  	s6 =	sld [smem:$0x3FB2]  }
0x2c: {  	s7 =	sld [smem:$0x3FB3]  }
0x2d: {  	s3 =	simm.s32 $0x108;
	s8 =	sld [smem:$0x3FB4]  }
0x2e: {  	s3 =	simm.s32 @!p0 $0x1082;
	s9 =	sld [smem:$0x3FB5]  }
0x2f: {  	lr =	sadd.s32 s0, s3;
	s0 =	sld [smem:$0x3FAC]  }
0x30: {  	s3 =	sld [smem:$0x3FAF]  }
0x31: {  	[smem:$0x3FB8] =	sst s10  }
0x32: {  	s10 =	sld [smem:$0x3FB6];
	_ =	sdelay $0x3  }
0x33: {  	p0 =	seq.s32 s10, $0x1;
	s10 =	sld [smem:$0x3FB8];
	_ =	sdelay $0x3  }
0x34: {  	[smem:$0x3FB8] =	sst s10  }
0x35: {  	s10 =	sld [smem:$0x3FB7];
	_ =	sdelay $0x3  }
0x36: {  	p1 =	seq.s32 s10, $0x1;
	s10 =	sld [smem:$0x3FB8];
	_ =	sdelay $0x3  }
0x37: {  	[smem:$0x3FB8] =	sst s10  }
0x38: {  	s10 =	sld [smem:$0x3FB9]  }
0x39: {  	_ = 	snop;
	(pc) =	sbr.ind lr, $3  }
0x3a: {  	_ = 	snop  }
0x3b: {  	_ = 	snop  }
0x3c: {  	p2 =	seq.s32 s10, $0x1;
	s10 =	sld [smem:$0x3FB8]  }
0x3d: {  	_ =	shalt  }
0x3e: {  	_ =	shalt  }
0x3f: {  	_ =	shalt  }
0x40: {  	_ =	shalt  }
0x41: {  	_ =	shalt  }
0x42: {  	_ =	shalt  }
0x43: {  	_ =	shalt  }
0x44: {  	_ =	shalt  }
0x45: {  	_ =	shalt  }
0x46: {  	_ =	shalt  }
0x47: {  	_ =	shalt  }
0x48: {  	_ =	shalt  }
0x49: {  	_ =	shalt  }
0x4a: {  	_ =	shalt  }
0x4b: {  	_ =	shalt  }
0x4c: {  	_ =	shalt  }
0x4d: {  	_ =	shalt  }
0x4e: {  	_ =	shalt  }
0x4f: {  	_ =	shalt  }
0x50: {  	_ =	shalt  }
0x51: {  	_ =	shalt  }
0x52: {  	_ =	shalt  }
0x53: {  	_ =	shalt  }
0x54: {  	_ =	shalt  }
0x55: {  	_ =	shalt  }
0x56: {  	_ =	shalt  }
0x57: {  	_ =	shalt  }
0x58: {  	_ =	shalt  }
0x59: {  	_ =	shalt  }
0x5a: {  	_ =	shalt  }
0x5b: {  	_ =	shalt  }
0x5c: {  	_ =	shalt  }
0x5d: {  	_ =	shalt  }
0x5e: {  	_ =	shalt  }
0x5f: {  	_ =	shalt  }
0x60: {  	_ =	shalt  }
0x61: {  	_ =	shalt  }
0x62: {  	_ =	shalt  }
0x63: {  	_ =	shalt  }
0x64: {  	_ =	shalt  }
0x65: {  	_ =	shalt  }
0x66: {  	_ =	shalt  }
0x67: {  	_ =	shalt  }
0x68: {  	_ =	shalt  }
0x69: {  	_ =	shalt  }
0x6a: {  	_ =	shalt  }
0x6b: {  	_ =	shalt  }
0x6c: {  	_ =	shalt  }
0x6d: {  	_ =	shalt  }
0x6e: {  	_ =	shalt  }
0x6f: {  	_ =	shalt  }
0x70: {  	_ =	shalt  }
0x71: {  	_ =	shalt  }
0x72: {  	_ =	shalt  }
0x73: {  	_ =	shalt  }
0x74: {  	_ =	shalt  }
0x75: {  	_ =	shalt  }
0x76: {  	_ =	shalt  }
0x77: {  	_ =	shalt  }
0x78: {  	_ =	shalt  }
0x79: {  	_ =	shalt  }
0x7a: {  	_ =	shalt  }
0x7b: {  	_ =	shalt  }
0x7c: {  	_ =	shalt  }
0x7d: {  	_ =	shalt  }
0x7e: {  	_ =	shalt  }
0x7f: {  	_ =	shalt  }
0x80: {  	_ =	shalt  }
0x81: {  	_ =	shalt  }
0x82: {  	_ =	shalt  }
0x83: {  	_ =	shalt  }
0x84: {  	_ =	shalt  }
0x85: {  	_ =	shalt  }
0x86: {  	_ =	shalt  }
0x87: {  	_ =	shalt  }
.Lfunc_end0:
.L_simem_size_0:
called_computation_lowered:
.L_overlay_start_0:
0x88: {  	s2 =	sld [smem:$0x3FD9]  }
0x89: {  	s3 =	sld [smem:$0x3FFE];
	_ =	sdelay $0x1  }
0x8a: {  	s1 =	srdreg.scid  }
0x8b: {  	s0 =	sand.u32 $0x1, s1  }
0x8c: {  	s14 =	sshll.u32 s0, $0xA;
	s2 =	sadd.s32 s3, s2  }
0x8d: {  	s2 =	sadd.s32 s2, s14  }
0x8e: {  	[smem:$0x3FC4] =	sst s2  }
0x8f: {  	_ = 	snop  }
0x90: {  	s2 =	sld [smem:$0x3FD0];
	_ =	sdelay $0x2  }
0x91: {  	s15 =	simm.s32 $0xA;
	s4 =	simm.s32 $0x10  }
0x92: {  	[smem:s4], [sflag:s15] =	dma.local [hbm:s2], $0x1  }
0x93: {  	_ =	swait.eq [sflag:s15], $0x1  }
0x94: {  	[sflag:s15] =	ssyncset.done $0x0  }
0x95: {  	[sflag:s15] =	ssyncadd.s32 $0xFFFFFFFF  }
0x96: {  	s16 =	sld [smem:$0x10];
	(tm) =	ssettm $0x1  }
0x97: {  	s17 =	sld [smem:$0x3FFB];
	_ =	sdelay $0x3  }
0x98: {  	_ =	strace s17  }
0x99: {  	s3 =	sld [smem:$0x3FFC];
	_ =	sdelay $0x3  }
0x9a: {  	_ =	strace s3  }
0x9b: {  	s3 =	sld [smem:$0x3FFD];
	_ =	sdelay $0x3  }
0x9c: {  	_ =	strace s3  }
0x9d: {  	_ =	strace $0x8FFFFFFF  }
0x9e: {  	s18 =	sld [smem:$0x3FDB];
	_ =	sdelay $0x1  }
0x9f: {  	s19 =	simm.s32 $_scs_section_size  }
0xa0: {  	s5 =	simm.s32 $_size__tile_overlayer_lowered;
	s6 =	simm.s32 $_tile_overlayer_lowered  }
0xa1: {  	s22 =	simm.s32 $0x1BFF;
	s21 =	sshll.u32 s6, $0x1;
	s3 =	sadd.s32 s19, s18  }
0xa2: {  	s7 =	simm.s32 $0x0;
	s20 =	sshll.u32 s5, $0x1;
	s5 =	sadd.s32 s21, s3  }
0xa3: {  	[timem:s7], [sflag:s22] =	dma.local [hbm:s5], s20  }
0xa4: {  	_ =	swait.ge [sflag:s22], s20  }
0xa5: {  	s4 =	ssub.s32 $0x0, s20;
	[sflag:s22] =	ssyncset.done $0x0  }
0xa6: {  	[sflag:s22] =	ssyncadd.s32 s4;
	_ =	sdelay $0x1  }
0xa7: {  	s23 =	simm.s32 $0x1B8B  }
0xa8: {  	_ =	swait.ge [sflag:s23], $0x1  }
0xa9: {  	[sflag:s23] =	ssyncset.done $0x0  }
0xaa: {  	s25 =	simm.s32 $0x1B8E;
	s24 =	sld [smem:$0x3FFE];
	[sflag:s23] =	ssyncadd.s32 $0xFFFFFFFF  }
0xab: {  	s26 =	simm.s32 $execute0_lowered;
	[smem:$0x3FD2] =	sst s25  }
0xac: {  	s5 =	sshll.u32 s26, $0x1;
	_ =	strace $0x80000046;
	[dreg:$0x1] =	wrdreg $0xFFFFFFFF  }
0xad: {  	s28 =	simm.s32 $_size_execute0_lowered;
	s3 =	sadd.s32 s3, s5;
	[dreg:$0x0] =	wrdreg $0x0  }
0xae: {  	s5 =	sshll.u32 s28, $0x1;
	[dreg:$0x2] =	wrdreg s3  }
0xaf: {  	[dreg:$0x3] =	wrdreg s5  }
0xb0: {  	[dreg:$0x4] =	wrdreg $0xC0  }
0xb1: {  	_ =	task [dreg:s7], $0x5FFFF  }
0xb2: {  	[dreg:$0x1] =	wrdreg $0xFFFFFFFF  }
0xb3: {  	[dreg:$0x0] =	wrdreg $0x60  }
0xb4: {  	[dreg:$0x2] =	wrdreg s24  }
0xb5: {  	[dreg:$0x3] =	wrdreg s16  }
0xb6: {  	[dreg:$0x4] =	wrdreg $0x9  }
0xb7: {  	_ =	task.clear_ibuf [dreg:s7], $0x5FFFF;
	_ =	strace $0x90000046  }
0xb8: {  	s29 =	simm.s32 $0x9;
	_ =	strace $0x80000048  }
0xb9: {  	_ =	swait.ge [sflag:s29], $0x1  }
0xba: {  	[sflag:s29] =	ssyncadd.s32 $0xFFFFFFFF  }
0xbb: {  	_ =	strace $0x90000048  }
0xbc: {  	_ =	sfence  }
0xbd: {  	s30 =	sld [smem:$0x0];
	_ =	sdelay $0x2  }
0xbe: {  	s31 =	sshll.u32 s1, $0xD;
	s1 =	sshrl.u32 s1, $0x2  }
0xbf: {  	s3 =	sand.u32 $0x4000, s31;
	s1 =	sadd.s32 s1, s30  }
0xc0: {  	s0 =	sor.u32 s3, s0;
	s1 =	sshll.u32 s1, $0x11  }
0xc1: {  	s0 =	sor.u32 s1, s0  }
0xc2: {  	s0 =	sadd.s32 $0x8F2B, s0  }
0xc3: {  	[sflag:s0] =	ssyncadd.remote.s32 $0x1  }
0xc4: {  	_ =	sfence.sel $0xFFFF  }
0xc5: {  	[dreg:$0x0] =	wrdreg $0xFFFFFFFF;
	(pc) =	sbr.abs _section_cstart, $3  }
0xc6: {  	[dreg:$0x1] =	wrdreg $0xFFFFFFFF  }
0xc7: {  	_ =	task.clear_ibuf [dreg:s7], $0x2FFFF;
	_ =	strace $0x9FFFFFFF  }
0xc8: {  	(tm) =	ssettm $0x7FFFFFFF  }
0xc9: {  	_ =	shalt  }
tec
execute0_lowered:
.L_overlay_start_1:
0x0: {  	(tag) =	ssettag $0x1  }
0x1: {  	s1 =	srdreg.scid;
	s4 =	rddreg [dreg:$0x0]  }
0x2: {  	s0 =	stileid.u32;
	s2 =	rddreg [dreg:$0x1];
	s7 =	simm.s32 $0x200  }
0x3: {  	s8 =	simm.s32 $0x4200;
	s9 =	simm.s32 $0x8200;
	s10 =	simm.s32 $0x1  }
0x4: {  	s11 =	simm.s32 $0xA00;
	s12 =	simm.s32 $0x1200;
	s13 =	simm.s32 $0x1A00  }
0x5: {  	s14 =	simm.s32 $0x2200;
	s15 =	simm.s32 $0x2A00;
	s16 =	simm.s32 $0x3200  }
0x6: {  	s17 =	simm.s32 $0x3A00;
	s26 =	simm.s32 $0x4A00;
	s18 =	simm.s32 $0x2  }
0x7: {  	s20 =	simm.s32 $0x5A00;
	s28 =	simm.s32 $0x9A00;
	s29 =	simm.s32 $0xA200  }
0x8: {  	s30 =	simm.s32 $0xAA00;
	s1 =	sand.u32 $0x1, s1;
	s3 =	sshll.u32 s0, $0x1  }
0x9: {  	s31 =	simm.s32 $0xB200;
	s5 =	sor.u32 s1, s3;
	s3 =	simm.s32 $0x0  }
0xa: {  	s1 =	ssub.s32 $0x2, s1;
	s6 =	sshll.u32 s5, $0x6;
	[smem:$0x7FF] =	sst s3  }
0xb: {  	s5 =	sshll.u32 s5, $0xD;
	s6 =	sadd.s32 s6, s4;
	_ =	strace $0x80000047  }
0xc: {  	s5 =	sadd.s32 s5, s4;
	[dreg:$0x8] =	wrdreg s26;
	s21 =	sadd.s32 $0x40800, s6  }
0xd: {  	s23 =	sshrl.u32 s1, $0x1;
	s22 =	sadd.s32 $0x800, s5;
	[dreg:$0x3] =	wrdreg s21  }
0xe: {  	s1 =	ssub.s32 s1, s23;
	s24 =	sadd.s32 $0x1000, s5;
	[dreg:$0x4] =	wrdreg s22  }
0xf: {  	s4 =	sadd.s32 $0x100, s2;
	s25 =	sadd.s32 $0x1800, s5;
	[dreg:$0x5] =	wrdreg s24  }
0x10: {  	s23 =	simm.s32 $0x7200;
	s5 =	sadd.s32 $0x2000, s5;
	[dreg:$0x6] =	wrdreg s25  }
0x11: {  	v2 =	vlaneseq.u32;
	s26 =	simm.s32 $0x9200;
	s6 =	simm.s32 $0x3;
	[dreg:$0x7] =	wrdreg s5  }
0x12: {  	vm0 =	vmmov $0xffff;
	v1 =	vshrl.u32 v2, $0x3;
	s5 =	smax.u32 s1, $0x1;
	s21 =	simm.s32 $0x6200;
	s22 =	simm.s32 $0x6A00  }
0x13: {  	v0 =	vand.u32 $0x7, v2;
	v2 =	vor.u32 $0x8, v2;
	v1 =	vmul.u32 $0x8, v1;
	s24 =	simm.s32 $0x7A00;
	s25 =	simm.s32 $0x8A00;
	s1 =	simm.s32 $0xBA00  }
.LBB2_1:
0x14: {  	s0 =	rddreg [dreg:$0x3]  }
0x15: {  	[tilespmem:s3], [sflag:$0x3] =	stream.linear.gather [hbm4b:s0+s3], $0x200, $0x38;
	[tilespmem:$0xC200] =	vst v63  }
0x16: {  	_ =	swait.ge [sflag:s6], $0x200  }
0x17: {  	[sflag:s6] =	ssyncset.done $0x0  }
0x18: {  	s0 =	rddreg [dreg:$0x4];
	[sflag:s6] =	ssyncadd.s32 $0xFFFFFE00  }
0x19: {  	[tilespmem:s7], [sflag:$0x1] =	stream.linear.gather [hbm4b:s0+s3], $0x4000, $0x38;
	[tilespmem:$0xC200] =	vst v63  }
0x1a: {  	s19 =	rddreg [dreg:$0x5]  }
0x1b: {  	[tilespmem:s8], [sflag:$0x1] =	stream.linear.gather [hbm4b:s19+s3], $0x4000, $0x38;
	[tilespmem:$0xC200] =	vst v63  }
0x1c: {  	s0 =	rddreg [dreg:$0x6]  }
0x1d: {  	[tilespmem:s9], [sflag:$0x1] =	stream.linear.gather [hbm4b:s0+s3], $0x4000, $0x38;
	[tilespmem:$0xC200] =	vst v63  }
0x1e: {  	_ =	swait.ge [sflag:s10], $0x4000  }
0x1f: {  	[sflag:s10] =	ssyncset.done $0x0  }
0x20: {  	[sflag:s10] =	ssyncadd.s32 $0xFFFFC000  }
0x21: {  	v3 =	vld [tilespmem:$0x0];
	_ =	sdelay $0x4  }
0x22: {  	v4 =	vshll.u32 v3, $0x2  }
0x23: {  	v3 =	vand.u32 $0x7, v3;
	v4 =	vand.u32 $0xFFFFFFE0, v4  }
0x24: {  	v3 =	vor.u32 v3, v4  }
0x25: {  	v4 =	vperm.xlane v3, v0;
	_ =	sdelay $0x1  }
0x26: {  	v4 =	vadd.s32 v1, v4;
	_ =	sdelay $0x1  }
0x27: {  	v3 =	vperm.xlane v3, v2;
	_ =	sdelay $0x1  }
0x28: {  	v3 =	vadd.s32 v1, v3  }
0x29: {  	[hbm4b:s2+s3] =	stream.indirect_vreg.scatter [tilespmem:s7], [sflag:$0x2], $0x80, v4, vm0, $0xb8;
	[tilespmem:$0xC200] =	vst v63  }
0x2a: {  	_ = 	snop  }
0x2b: {  	[hbm4b:s4+s3] =	stream.indirect_vreg.scatter [tilespmem:s11], [sflag:$0x2], $0x80, v4, vm0, $0xb8;
	[tilespmem:$0xC200] =	vst v63  }
0x2c: {  	_ = 	snop  }
0x2d: {  	[hbm4b:s2+s3] =	stream.indirect_vreg.scatter [tilespmem:s12], [sflag:$0x2], $0x80, v3, vm0, $0xb8;
	[tilespmem:$0xC200] =	vst v63  }
0x2e: {  	_ = 	snop  }
0x2f: {  	[hbm4b:s4+s3] =	stream.indirect_vreg.scatter [tilespmem:s13], [sflag:$0x2], $0x80, v3, vm0, $0xb8;
	[tilespmem:$0xC200] =	vst v63  }
0x30: {  	v3 =	vld [tilespmem:$0x10];
	_ =	sdelay $0x4  }
0x31: {  	v57 =	vshll.u32 v3, $0x2  }
0x32: {  	v3 =	vand.u32 $0x7, v3;
	v4 =	vand.u32 $0xFFFFFFE0, v57  }
0x33: {  	v3 =	vor.u32 v3, v4  }
0x34: {  	v4 =	vperm.xlane v3, v0;
	_ =	sdelay $0x1  }
0x35: {  	v4 =	vadd.s32 v1, v4;
	_ =	sdelay $0x1  }
0x36: {  	v3 =	vperm.xlane v3, v2;
	_ =	sdelay $0x1  }
0x37: {  	v3 =	vadd.s32 v1, v3  }
0x38: {  	[hbm4b:s2+s3] =	stream.indirect_vreg.scatter [tilespmem:s14], [sflag:$0x2], $0x80, v4, vm0, $0xb8;
	[tilespmem:$0xC200] =	vst v63  }
0x39: {  	_ = 	snop  }
0x3a: {  	[hbm4b:s4+s3] =	stream.indirect_vreg.scatter [tilespmem:s15], [sflag:$0x2], $0x80, v4, vm0, $0xb8;
	[tilespmem:$0xC200] =	vst v63  }
0x3b: {  	_ = 	snop  }
0x3c: {  	[hbm4b:s2+s3] =	stream.indirect_vreg.scatter [tilespmem:s16], [sflag:$0x2], $0x80, v3, vm0, $0xb8;
	[tilespmem:$0xC200] =	vst v63  }
0x3d: {  	_ = 	snop  }
0x3e: {  	[hbm4b:s4+s3] =	stream.indirect_vreg.scatter [tilespmem:s17], [sflag:$0x2], $0x80, v3, vm0, $0xb8;
	[tilespmem:$0xC200] =	vst v63  }
0x3f: {  	_ =	swait.ge [sflag:s18], $0x4000  }
0x40: {  	[sflag:s18] =	ssyncset.done $0x0  }
0x41: {  	s19 =	rddreg [dreg:$0x7];
	[sflag:s18] =	ssyncadd.s32 $0xFFFFC000  }
0x42: {  	[tilespmem:s7], [sflag:$0x1] =	stream.linear.gather [hbm4b:s19+s3], $0x4000, $0x38;
	[tilespmem:$0xC200] =	vst v63  }
0x43: {  	_ =	swait.ge [sflag:s10], $0x4000  }
0x44: {  	[sflag:s10] =	ssyncset.done $0x0  }
0x45: {  	[sflag:s10] =	ssyncadd.s32 $0xFFFFC000  }
0x46: {  	v3 =	vld [tilespmem:$0x80];
	_ =	sdelay $0x4  }
0x47: {  	v58 =	vshll.u32 v3, $0x2  }
0x48: {  	v3 =	vand.u32 $0x7, v3;
	v4 =	vand.u32 $0xFFFFFFE0, v58  }
0x49: {  	v3 =	vor.u32 v3, v4  }
0x4a: {  	v4 =	vperm.xlane v3, v0;
	_ =	sdelay $0x1  }
0x4b: {  	v4 =	vadd.s32 v1, v4;
	_ =	sdelay $0x1  }
0x4c: {  	v3 =	vperm.xlane v3, v2;
	_ =	sdelay $0x1  }
0x4d: {  	v3 =	vadd.s32 v1, v3  }
0x4e: {  	[hbm4b:s2+s3] =	stream.indirect_vreg.scatter [tilespmem:s8], [sflag:$0x2], $0x80, v4, vm0, $0xb8;
	[tilespmem:$0xC200] =	vst v63  }
0x4f: {  	s19 =	rddreg [dreg:$0x8]  }
0x50: {  	[hbm4b:s4+s3] =	stream.indirect_vreg.scatter [tilespmem:s19], [sflag:$0x2], $0x80, v4, vm0, $0xb8;
	[tilespmem:$0xC200] =	vst v63  }
0x51: {  	s19 =	simm.s32 $0x5200  }
0x52: {  	[hbm4b:s2+s3] =	stream.indirect_vreg.scatter [tilespmem:s19], [sflag:$0x2], $0x80, v3, vm0, $0xb8;
	[tilespmem:$0xC200] =	vst v63  }
0x53: {  	_ = 	snop  }
0x54: {  	[hbm4b:s4+s3] =	stream.indirect_vreg.scatter [tilespmem:s20], [sflag:$0x2], $0x80, v3, vm0, $0xb8;
	[tilespmem:$0xC200] =	vst v63  }
0x55: {  	v3 =	vld [tilespmem:$0x90];
	_ =	sdelay $0x4  }
0x56: {  	v59 =	vshll.u32 v3, $0x2  }
0x57: {  	v3 =	vand.u32 $0x7, v3;
	v4 =	vand.u32 $0xFFFFFFE0, v59  }
0x58: {  	v3 =	vor.u32 v3, v4  }
0x59: {  	v4 =	vperm.xlane v3, v0;
	_ =	sdelay $0x1  }
0x5a: {  	v4 =	vadd.s32 v1, v4;
	_ =	sdelay $0x1  }
0x5b: {  	v3 =	vperm.xlane v3, v2;
	_ =	sdelay $0x1  }
0x5c: {  	v3 =	vadd.s32 v1, v3  }
0x5d: {  	[hbm4b:s2+s3] =	stream.indirect_vreg.scatter [tilespmem:s21], [sflag:$0x2], $0x80, v4, vm0, $0xb8;
	[tilespmem:$0xC200] =	vst v63  }
0x5e: {  	_ = 	snop  }
0x5f: {  	[hbm4b:s4+s3] =	stream.indirect_vreg.scatter [tilespmem:s22], [sflag:$0x2], $0x80, v4, vm0, $0xb8;
	[tilespmem:$0xC200] =	vst v63  }
0x60: {  	_ = 	snop  }
0x61: {  	[hbm4b:s2+s3] =	stream.indirect_vreg.scatter [tilespmem:s23], [sflag:$0x2], $0x80, v3, vm0, $0xb8;
	[tilespmem:$0xC200] =	vst v63  }
0x62: {  	_ = 	snop  }
0x63: {  	[hbm4b:s4+s3] =	stream.indirect_vreg.scatter [tilespmem:s24], [sflag:$0x2], $0x80, v3, vm0, $0xb8;
	[tilespmem:$0xC200] =	vst v63  }
0x64: {  	_ =	swait.ge [sflag:s10], $0x4000  }
0x65: {  	[sflag:s10] =	ssyncset.done $0x0  }
0x66: {  	[sflag:s10] =	ssyncadd.s32 $0xFFFFC000  }
0x67: {  	v3 =	vld [tilespmem:$0x100];
	_ =	sdelay $0x4  }
0x68: {  	v60 =	vshll.u32 v3, $0x2  }
0x69: {  	v3 =	vand.u32 $0x7, v3;
	v4 =	vand.u32 $0xFFFFFFE0, v60  }
0x6a: {  	v3 =	vor.u32 v3, v4  }
0x6b: {  	v4 =	vperm.xlane v3, v0;
	_ =	sdelay $0x1  }
0x6c: {  	v4 =	vadd.s32 v1, v4;
	_ =	sdelay $0x1  }
0x6d: {  	v3 =	vperm.xlane v3, v2;
	_ =	sdelay $0x1  }
0x6e: {  	v3 =	vadd.s32 v1, v3  }
0x6f: {  	[hbm4b:s2+s3] =	stream.indirect_vreg.scatter [tilespmem:s9], [sflag:$0x2], $0x80, v4, vm0, $0xb8;
	[tilespmem:$0xC200] =	vst v63  }
0x70: {  	_ = 	snop  }
0x71: {  	[hbm4b:s4+s3] =	stream.indirect_vreg.scatter [tilespmem:s25], [sflag:$0x2], $0x80, v4, vm0, $0xb8;
	[tilespmem:$0xC200] =	vst v63  }
0x72: {  	_ = 	snop  }
0x73: {  	[hbm4b:s2+s3] =	stream.indirect_vreg.scatter [tilespmem:s26], [sflag:$0x2], $0x80, v3, vm0, $0xb8;
	[tilespmem:$0xC200] =	vst v63  }
0x74: {  	_ = 	snop  }
0x75: {  	[hbm4b:s4+s3] =	stream.indirect_vreg.scatter [tilespmem:s28], [sflag:$0x2], $0x80, v3, vm0, $0xb8;
	[tilespmem:$0xC200] =	vst v63  }
0x76: {  	v3 =	vld [tilespmem:$0x110];
	_ =	sdelay $0x4  }
0x77: {  	v61 =	vshll.u32 v3, $0x2  }
0x78: {  	v3 =	vand.u32 $0x7, v3;
	v4 =	vand.u32 $0xFFFFFFE0, v61  }
0x79: {  	v3 =	vor.u32 v3, v4  }
0x7a: {  	v4 =	vperm.xlane v3, v0;
	_ =	sdelay $0x1  }
0x7b: {  	v4 =	vadd.s32 v1, v4;
	_ =	sdelay $0x1  }
0x7c: {  	v3 =	vperm.xlane v3, v2;
	_ =	sdelay $0x1  }
0x7d: {  	v3 =	vadd.s32 v1, v3  }
0x7e: {  	[hbm4b:s2+s3] =	stream.indirect_vreg.scatter [tilespmem:s29], [sflag:$0x2], $0x80, v4, vm0, $0xb8;
	[tilespmem:$0xC200] =	vst v63  }
0x7f: {  	_ = 	snop  }
0x80: {  	[hbm4b:s4+s3] =	stream.indirect_vreg.scatter [tilespmem:s30], [sflag:$0x2], $0x80, v4, vm0, $0xb8;
	[tilespmem:$0xC200] =	vst v63  }
0x81: {  	_ = 	snop  }
0x82: {  	[hbm4b:s2+s3] =	stream.indirect_vreg.scatter [tilespmem:s31], [sflag:$0x2], $0x80, v3, vm0, $0xb8;
	[tilespmem:$0xC200] =	vst v63  }
0x83: {  	_ = 	snop  }
0x84: {  	[hbm4b:s4+s3] =	stream.indirect_vreg.scatter [tilespmem:s1], [sflag:$0x2], $0x80, v3, vm0, $0xb8;
	[tilespmem:$0xC200] =	vst v63  }
0x85: {  	_ =	swait.ge [sflag:s10], $0x4000  }
0x86: {  	[sflag:s10] =	ssyncset.done $0x0  }
0x87: {  	[sflag:s10] =	ssyncadd.s32 $0xFFFFC000  }
0x88: {  	v3 =	vld [tilespmem:$0x180];
	_ =	sdelay $0x4  }
0x89: {  	v62 =	vshll.u32 v3, $0x2  }
0x8a: {  	v3 =	vand.u32 $0x7, v3;
	v4 =	vand.u32 $0xFFFFFFE0, v62  }
0x8b: {  	v3 =	vor.u32 v3, v4  }
0x8c: {  	v4 =	vperm.xlane v3, v0;
	_ =	sdelay $0x1  }
0x8d: {  	v4 =	vadd.s32 v1, v4;
	_ =	sdelay $0x1  }
0x8e: {  	v3 =	vperm.xlane v3, v2;
	_ =	sdelay $0x1  }
0x8f: {  	v3 =	vadd.s32 v1, v3  }
0x90: {  	[hbm4b:s2+s3] =	stream.indirect_vreg.scatter [tilespmem:s7], [sflag:$0x2], $0x80, v4, vm0, $0xb8;
	[tilespmem:$0xC200] =	vst v63  }
0x91: {  	_ = 	snop  }
0x92: {  	[hbm4b:s4+s3] =	stream.indirect_vreg.scatter [tilespmem:s11], [sflag:$0x2], $0x80, v4, vm0, $0xb8;
	[tilespmem:$0xC200] =	vst v63  }
0x93: {  	_ = 	snop  }
0x94: {  	[hbm4b:s2+s3] =	stream.indirect_vreg.scatter [tilespmem:s12], [sflag:$0x2], $0x80, v3, vm0, $0xb8;
	[tilespmem:$0xC200] =	vst v63  }
0x95: {  	_ = 	snop  }
0x96: {  	[hbm4b:s4+s3] =	stream.indirect_vreg.scatter [tilespmem:s13], [sflag:$0x2], $0x80, v3, vm0, $0xb8;
	[tilespmem:$0xC200] =	vst v63  }
0x97: {  	v3 =	vld [tilespmem:$0x190];
	_ =	sdelay $0x4  }
0x98: {  	v63 =	vshll.u32 v3, $0x2  }
0x99: {  	v3 =	vand.u32 $0x7, v3;
	v4 =	vand.u32 $0xFFFFFFE0, v63  }
0x9a: {  	v3 =	vor.u32 v3, v4  }
0x9b: {  	v4 =	vperm.xlane v3, v0;
	_ =	sdelay $0x1  }
0x9c: {  	v4 =	vadd.s32 v1, v4;
	_ =	sdelay $0x1  }
0x9d: {  	v3 =	vperm.xlane v3, v2;
	_ =	sdelay $0x1  }
0x9e: {  	v3 =	vadd.s32 v1, v3  }
0x9f: {  	[hbm4b:s2+s3] =	stream.indirect_vreg.scatter [tilespmem:s14], [sflag:$0x2], $0x80, v4, vm0, $0xb8;
	[tilespmem:$0xC200] =	vst v63  }
0xa0: {  	_ = 	snop  }
0xa1: {  	[hbm4b:s4+s3] =	stream.indirect_vreg.scatter [tilespmem:s15], [sflag:$0x2], $0x80, v4, vm0, $0xb8;
	[tilespmem:$0xC200] =	vst v63  }
0xa2: {  	_ = 	snop  }
0xa3: {  	[hbm4b:s2+s3] =	stream.indirect_vreg.scatter [tilespmem:s16], [sflag:$0x2], $0x80, v3, vm0, $0xb8;
	[tilespmem:$0xC200] =	vst v63  }
0xa4: {  	_ = 	snop  }
0xa5: {  	[hbm4b:s4+s3] =	stream.indirect_vreg.scatter [tilespmem:s17], [sflag:$0x2], $0x80, v3, vm0, $0xb8;
	[tilespmem:$0xC200] =	vst v63  }
0xa6: {  	_ =	swait.ge [sflag:s18], $0x4000  }
0xa7: {  	[sflag:s18] =	ssyncset.done $0x0  }
0xa8: {  	[sflag:s18] =	ssyncadd.s32 $0xFFFFC000  }
0xa9: {  	p0 =	sne.s32 s5, $0x1;
	_ =	swait.ge [sflag:s18], $0x4000  }
.Ltmp0:
0xaa: {  	[sflag:s18] =	ssyncset.done $0x0;
	(pc) =	sbr.rel @p0 .LBB2_1-.Ltmp0, $4  }
0xab: {  	[sflag:s18] =	ssyncadd.s32 $0xFFFFC000  }
0xac: {  	_ =	swait.ge [sflag:s18], $0x4000  }
0xad: {  	[sflag:s18] =	ssyncset.done $0x0  }
0xae: {  	s5 =	sadd.s32 $0xFFFFFFFF, s5;
	[sflag:s18] =	ssyncadd.s32 $0xFFFFC000  }
0xaf: {  	_ =	sfence.sel $0x180000  }
0xb0: {  	[bflag:$0x0] =	sbarrier.arrive $0xFFFF  }
0xb1: {  	_ =	strace $0x90000047  }
0xb2: {  	s0 =	stileid.u32;
	[bflag:$0x2] =	sbarrier.arrive $0xFFFF  }
0xb3: {  	p0 =	sne.s32 s0, $0x0;
	s0 =	rddreg [dreg:$0x2]  }
0xb4: {  	s0 =	sadd.s32 @!p0 $0x100000, s0  }
0xb5: {  	[sflag:s0] =	ssyncadd.tile.s32 @!p0 $0x1;
	_ =	shalt  }
.Lfunc_end2:
_tile_overlayer_lowered:
.L_overlay_start_2:
0xb6: {  	(tag) =	ssettag $0x2  }
0xb7: {  	s0 =	rddreg [dreg:$0x0];
	s2 =	stileid.u32  }
0xb8: {  	s1 =	rddreg [dreg:$0x1];
	p0 =	sne.s32 s2, $0x0  }
0xb9: {  	s3 =	rddreg [dreg:$0x2];
	[bflag:$0x3] =	sbarrier.arrive $0xFFFF;
	s2 =	simm.s32 @!p0 $0x1C03  }
0xba: {  	[timem:s3], [sflag:s2] =	dma.local @!p0 [hbm:s0], s1  }
0xbb: {  	s0 =	simm.s32 @!p0 $0x3  }
0xbc: {  	_ =	swait.ge @!p0 [sflag:s0], s1  }
0xbd: {  	s1 =	ssub.s32 @!p0 $0x0, s1;
	[sflag:s0] =	ssyncset.done @!p0 $0x0  }
0xbe: {  	[sflag:s0] =	ssyncadd.s32 @!p0 s1  }
0xbf: {  	[bflag:$0x3] =	sbarrier.arrive $0xFFFF  }
0xc0: {  	_ =	shalt  }

// kernel: kernel.9.cloned.1.call-start
scs
__scs_entry_jumppad:
0x0: {  	(pc) =	sbr.rel $0x88, $3  }
0x1: {  	(tag) =	ssettag $0x0;
	lr =	simm.s32 $0x1  }
0x2: {  	[smem:$0x3F9D] =	sst lr;
	_ =	strace $0xD0000000  }
0x3: {  	_ = 	snop  }
0x4: {  	_ = 	snop  }
0x5: {  	_ = 	snop  }
0x6: {  	_ = 	snop  }
0x7: {  	_ = 	snop  }
__scs_overlays_trampoline_lowered:
0x8: {  	[smem:$0x3FAC] =	sst s0  }
0x9: {  	[smem:$0x3FAD] =	sst s1  }
0xa: {  	[smem:$0x3FAE] =	sst s2  }
0xb: {  	[smem:$0x3FAF] =	sst s3  }
0xc: {  	[smem:$0x3FB0] =	sst s4  }
0xd: {  	[smem:$0x3FB1] =	sst s5  }
0xe: {  	[smem:$0x3FB2] =	sst s6  }
0xf: {  	[smem:$0x3FB3] =	sst s7  }
0x10: {  	[smem:$0x3FB4] =	sst s8  }
0x11: {  	[smem:$0x3FB5] =	sst s9;
	s0 =	simm.s32 @!p0 $0x0  }
0x12: {  	s1 =	sld [smem:$0x3F9B];
	s0 =	simm.s32 @p0 $0x1  }
0x13: {  	[smem:$0x3FB6] =	sst s0;
	s0 =	simm.s32 @!p1 $0x0  }
0x14: {  	s2 =	sld [smem:$0x3F9A];
	s0 =	simm.s32 @p1 $0x1  }
0x15: {  	[smem:$0x3FB7] =	sst s0;
	s0 =	simm.s32 @!p2 $0x0  }
0x16: {  	s3 =	sld [smem:$0x3FDB];
	s0 =	simm.s32 @p2 $0x1  }
0x17: {  	s4 =	simm.s32 $0x1BF5;
	[smem:$0x3FB9] =	sst s0  }
0x18: {  	s0 =	sld [smem:$0x3F9C];
	_ =	swait.ge [sflag:s4], $0x0  }
0x19: {  	s7 =	sld [smem:$0x3F9D]  }
0x1a: {  	s8 =	sadd.s32 $0xFFFFE003, lr  }
0x1b: {  	s9 =	sadd.s32 $0xFFFFFEF7, lr;
	s5 =	simm.s32 $0xFFFFFFFF;
	p2 =	slt.u32 s8, $0xFFFFF086  }
0x1c: {  	p1 =	slt.u32 s9, $0xF7A;
	s5 =	simm.s32 @!p2 $0x0  }
0x1d: {  	s5 =	simm.s32 @p1 $0x1;
	p0 =	seq.s32 s7, s2  }
0x1e: {  	s7 =	smul.u32 @!p0 $0xF7A, s2;
	p2 =	seq.s32 @!p0 s5, $0x0  }
0x1f: {  	s9 =	smul.u32 $0xF7A, s1;
	s8 =	simm.s32 @!p0 $0x1BF5;
	p2 =	por !p2, p0  }
0x20: {  	[sflag:s8] =	ssyncset.s32 @!p0 $0xFFFFF086;
	s6 =	sadd.s32 @!p0 s3, s7;
	s7 =	simm.s32 @!p0 $0x108  }
0x21: {  	s3 =	sadd.s32 s3, s9;
	s6 =	sadd.s32 @!p0 $0x88, s6;
	s7 =	simm.s32 @p2 $0x1082  }
0x22: {  	[simem:s7], [sflag:s8] =	dma.local @!p0 [hbm:s6], $0xF7A  }
0x23: {  	s9 =	sor.u32 $0xD0000000, s2;
	s6 =	simm.s32 $0x108;
	_ =	swait.ge @!p0 [sflag:s8], $0x0  }
0x24: {  	s3 =	sadd.s32 $0x88, s3;
	s6 =	simm.s32 @!p1 $0x1082;
	[sflag:s4] =	ssyncset.s32 $0xFFFFF086  }
0x25: {  	[simem:s6], [sflag:s4] =	dma.local [hbm:s3], $0xF7A  }
0x26: {  	[smem:$0x3F9D] =	sst s1;
	(tag) =	ssettag s2;
	_ =	strace s9  }
0x27: {  	s1 =	sld [smem:$0x3FAD]  }
0x28: {  	s2 =	sld [smem:$0x3FAE]  }
0x29: {  	s4 =	sld [smem:$0x3FB0]  }
0x2a: {  	p0 =	seq.s32 s5, $0x0;
	s5 =	sld [smem:$0x3FB1]  }
0x2b: {  	s6 =	sld [smem:$0x3FB2]  }
0x2c: {  	s7 =	sld [smem:$0x3FB3]  }
0x2d: {  	s3 =	simm.s32 $0x108;
	s8 =	sld [smem:$0x3FB4]  }
0x2e: {  	s3 =	simm.s32 @!p0 $0x1082;
	s9 =	sld [smem:$0x3FB5]  }
0x2f: {  	lr =	sadd.s32 s0, s3;
	s0 =	sld [smem:$0x3FAC]  }
0x30: {  	s3 =	sld [smem:$0x3FAF]  }
0x31: {  	[smem:$0x3FB8] =	sst s10  }
0x32: {  	s10 =	sld [smem:$0x3FB6];
	_ =	sdelay $0x3  }
0x33: {  	p0 =	seq.s32 s10, $0x1;
	s10 =	sld [smem:$0x3FB8];
	_ =	sdelay $0x3  }
0x34: {  	[smem:$0x3FB8] =	sst s10  }
0x35: {  	s10 =	sld [smem:$0x3FB7];
	_ =	sdelay $0x3  }
0x36: {  	p1 =	seq.s32 s10, $0x1;
	s10 =	sld [smem:$0x3FB8];
	_ =	sdelay $0x3  }
0x37: {  	[smem:$0x3FB8] =	sst s10  }
0x38: {  	s10 =	sld [smem:$0x3FB9]  }
0x39: {  	_ = 	snop;
	(pc) =	sbr.ind lr, $3  }
0x3a: {  	_ = 	snop  }
0x3b: {  	_ = 	snop  }
0x3c: {  	p2 =	seq.s32 s10, $0x1;
	s10 =	sld [smem:$0x3FB8]  }
0x3d: {  	_ =	shalt  }
0x3e: {  	_ =	shalt  }
0x3f: {  	_ =	shalt  }
0x40: {  	_ =	shalt  }
0x41: {  	_ =	shalt  }
0x42: {  	_ =	shalt  }
0x43: {  	_ =	shalt  }
0x44: {  	_ =	shalt  }
0x45: {  	_ =	shalt  }
0x46: {  	_ =	shalt  }
0x47: {  	_ =	shalt  }
0x48: {  	_ =	shalt  }
0x49: {  	_ =	shalt  }
0x4a: {  	_ =	shalt  }
0x4b: {  	_ =	shalt  }
0x4c: {  	_ =	shalt  }
0x4d: {  	_ =	shalt  }
0x4e: {  	_ =	shalt  }
0x4f: {  	_ =	shalt  }
0x50: {  	_ =	shalt  }
0x51: {  	_ =	shalt  }
0x52: {  	_ =	shalt  }
0x53: {  	_ =	shalt  }
0x54: {  	_ =	shalt  }
0x55: {  	_ =	shalt  }
0x56: {  	_ =	shalt  }
0x57: {  	_ =	shalt  }
0x58: {  	_ =	shalt  }
0x59: {  	_ =	shalt  }
0x5a: {  	_ =	shalt  }
0x5b: {  	_ =	shalt  }
0x5c: {  	_ =	shalt  }
0x5d: {  	_ =	shalt  }
0x5e: {  	_ =	shalt  }
0x5f: {  	_ =	shalt  }
0x60: {  	_ =	shalt  }
0x61: {  	_ =	shalt  }
0x62: {  	_ =	shalt  }
0x63: {  	_ =	shalt  }
0x64: {  	_ =	shalt  }
0x65: {  	_ =	shalt  }
0x66: {  	_ =	shalt  }
0x67: {  	_ =	shalt  }
0x68: {  	_ =	shalt  }
0x69: {  	_ =	shalt  }
0x6a: {  	_ =	shalt  }
0x6b: {  	_ =	shalt  }
0x6c: {  	_ =	shalt  }
0x6d: {  	_ =	shalt  }
0x6e: {  	_ =	shalt  }
0x6f: {  	_ =	shalt  }
0x70: {  	_ =	shalt  }
0x71: {  	_ =	shalt  }
0x72: {  	_ =	shalt  }
0x73: {  	_ =	shalt  }
0x74: {  	_ =	shalt  }
0x75: {  	_ =	shalt  }
0x76: {  	_ =	shalt  }
0x77: {  	_ =	shalt  }
0x78: {  	_ =	shalt  }
0x79: {  	_ =	shalt  }
0x7a: {  	_ =	shalt  }
0x7b: {  	_ =	shalt  }
0x7c: {  	_ =	shalt  }
0x7d: {  	_ =	shalt  }
0x7e: {  	_ =	shalt  }
0x7f: {  	_ =	shalt  }
0x80: {  	_ =	shalt  }
0x81: {  	_ =	shalt  }
0x82: {  	_ =	shalt  }
0x83: {  	_ =	shalt  }
0x84: {  	_ =	shalt  }
0x85: {  	_ =	shalt  }
0x86: {  	_ =	shalt  }
0x87: {  	_ =	shalt  }
.Lfunc_end0:
.L_simem_size_0:
called_computation.1_lowered:
.L_overlay_start_0:
0x88: {  	s2 =	sld [smem:$0x3FD9]  }
0x89: {  	s3 =	sld [smem:$0x3FFE];
	_ =	sdelay $0x1  }
0x8a: {  	s1 =	srdreg.scid  }
0x8b: {  	s0 =	sand.u32 $0x1, s1  }
0x8c: {  	s16 =	sshll.u32 s0, $0xA;
	s2 =	sadd.s32 s3, s2  }
0x8d: {  	s2 =	sadd.s32 s2, s16  }
0x8e: {  	[smem:$0x3FC4] =	sst s2  }
0x8f: {  	_ = 	snop  }
0x90: {  	(tm) =	ssettm $0x1  }
0x91: {  	s17 =	sld [smem:$0x3FFB];
	_ =	sdelay $0x3  }
0x92: {  	_ =	strace s17  }
0x93: {  	s2 =	sld [smem:$0x3FFC];
	_ =	sdelay $0x3  }
0x94: {  	_ =	strace s2  }
0x95: {  	s2 =	sld [smem:$0x3FFD];
	_ =	sdelay $0x3  }
0x96: {  	_ =	strace s2  }
0x97: {  	_ =	strace $0x8FFFFFFF  }
0x98: {  	s18 =	sld [smem:$0x3FDB];
	_ =	sdelay $0x1  }
0x99: {  	s19 =	simm.s32 $_scs_section_size  }
0x9a: {  	s4 =	simm.s32 $_size__tile_overlayer_lowered;
	s5 =	simm.s32 $_tile_overlayer_lowered  }
0x9b: {  	s22 =	simm.s32 $0x1BFF;
	s21 =	sshll.u32 s5, $0x1;
	s2 =	sadd.s32 s19, s18  }
0x9c: {  	s6 =	simm.s32 $0x0;
	s20 =	sshll.u32 s4, $0x1;
	s4 =	sadd.s32 s21, s2  }
0x9d: {  	[timem:s6], [sflag:s22] =	dma.local [hbm:s4], s20  }
0x9e: {  	_ =	swait.ge [sflag:s22], s20  }
0x9f: {  	s3 =	ssub.s32 $0x0, s20;
	[sflag:s22] =	ssyncset.done $0x0  }
0xa0: {  	[sflag:s22] =	ssyncadd.s32 s3;
	_ =	sdelay $0x1  }
0xa1: {  	s23 =	simm.s32 $0x1B8B  }
0xa2: {  	_ =	swait.ge [sflag:s23], $0x1  }
0xa3: {  	[sflag:s23] =	ssyncset.done $0x0  }
0xa4: {  	s25 =	simm.s32 $0x1B8E;
	s24 =	sld [smem:$0x3FFE];
	[sflag:s23] =	ssyncadd.s32 $0xFFFFFFFF  }
0xa5: {  	s26 =	simm.s32 $execute0_lowered;
	[smem:$0x3FD2] =	sst s25  }
0xa6: {  	s4 =	sshll.u32 s26, $0x1;
	_ =	strace $0x80000049;
	[dreg:$0x1] =	wrdreg $0xFFFFFFFF  }
0xa7: {  	s28 =	simm.s32 $_size_execute0_lowered;
	s2 =	sadd.s32 s2, s4;
	[dreg:$0x0] =	wrdreg $0x0  }
0xa8: {  	s4 =	sshll.u32 s28, $0x1;
	[dreg:$0x2] =	wrdreg s2  }
0xa9: {  	[dreg:$0x3] =	wrdreg s4  }
0xaa: {  	[dreg:$0x4] =	wrdreg $0xC0  }
0xab: {  	_ =	task [dreg:s6], $0x5FFFF  }
0xac: {  	[dreg:$0x1] =	wrdreg $0xFFFFFFFF  }
0xad: {  	[dreg:$0x0] =	wrdreg $0x60  }
0xae: {  	[dreg:$0x2] =	wrdreg s24  }
0xaf: {  	[dreg:$0x3] =	wrdreg $0x9  }
0xb0: {  	_ =	task.clear_ibuf [dreg:s6], $0x4FFFF;
	_ =	strace $0x90000049  }
0xb1: {  	s29 =	simm.s32 $0x9;
	_ =	strace $0x8000004B  }
0xb2: {  	_ =	swait.ge [sflag:s29], $0x1  }
0xb3: {  	[sflag:s29] =	ssyncadd.s32 $0xFFFFFFFF  }
0xb4: {  	_ =	strace $0x9000004B  }
0xb5: {  	_ =	sfence  }
0xb6: {  	s30 =	sld [smem:$0x0];
	_ =	sdelay $0x2  }
0xb7: {  	s31 =	sshll.u32 s1, $0xD;
	s1 =	sshrl.u32 s1, $0x2  }
0xb8: {  	s3 =	sand.u32 $0x4000, s31;
	s1 =	sadd.s32 s1, s30  }
0xb9: {  	s0 =	sor.u32 s3, s0;
	s1 =	sshll.u32 s1, $0x11  }
0xba: {  	s0 =	sor.u32 s1, s0  }
0xbb: {  	s0 =	sadd.s32 $0x8F2B, s0  }
0xbc: {  	[sflag:s0] =	ssyncadd.remote.s32 $0x1  }
0xbd: {  	_ =	sfence.sel $0xFFFF  }
0xbe: {  	[dreg:$0x0] =	wrdreg $0xFFFFFFFF;
	(pc) =	sbr.abs _section_cstart, $3  }
0xbf: {  	[dreg:$0x1] =	wrdreg $0xFFFFFFFF  }
0xc0: {  	_ =	task.clear_ibuf [dreg:s6], $0x2FFFF;
	_ =	strace $0x9FFFFFFF  }
0xc1: {  	(tm) =	ssettm $0x7FFFFFFF  }
tec
execute0_lowered:
.L_overlay_start_1:
0x0: {  	(tag) =	ssettag $0x1  }
0x1: {  	s1 =	srdreg.scid;
	s0 =	stileid.u32  }
0x2: {  	s1 =	sand.u32 $0x1, s1;
	s2 =	sshll.u32 s0, $0x1  }
0x3: {  	s6 =	rddreg [dreg:$0x0];
	s3 =	sor.u32 s1, s2;
	s2 =	simm.s32 $0x0  }
0x4: {  	s26 =	simm.s32 $0x8A00;
	[smem:$0x7FF] =	sst s2  }
0x5: {  	s28 =	simm.s32 $0x9200;
	_ =	strace $0x8000004A;
	[dreg:$0x7] =	wrdreg s26  }
0x6: {  	s5 =	simm.s32 $0xA200;
	s0 =	simm.s32 $0x9A00;
	[dreg:$0x8] =	wrdreg s28  }
0x7: {  	s7 =	simm.s32 $0xAA00;
	s8 =	simm.s32 $0xB200;
	[dreg:$0x9] =	wrdreg s0  }
0x8: {  	s9 =	simm.s32 $0xBA00;
	s10 =	simm.s32 $0xCA00;
	[dreg:$0xa] =	wrdreg s5  }
0x9: {  	s11 =	simm.s32 $0xDA00;
	s12 =	simm.s32 $0xE200;
	[dreg:$0xb] =	wrdreg s7  }
0xa: {  	s13 =	simm.s32 $0xEA00;
	s14 =	simm.s32 $0xF200;
	[dreg:$0xc] =	wrdreg s8  }
0xb: {  	s15 =	simm.s32 $0xFA00;
	s16 =	simm.s32 $0x10A00;
	[dreg:$0xd] =	wrdreg s9  }
0xc: {  	s17 =	simm.s32 $0x11200;
	s18 =	simm.s32 $0x11A00;
	[dreg:$0xf] =	wrdreg s10  }
0xd: {  	s19 =	simm.s32 $0x12200;
	s20 =	simm.s32 $0x12A00;
	[dreg:$0x11] =	wrdreg s11  }
0xe: {  	s21 =	simm.s32 $0x13200;
	s22 =	simm.s32 $0x13A00;
	[dreg:$0x12] =	wrdreg s12  }
0xf: {  	s29 =	simm.s32 $0x17200;
	s30 =	simm.s32 $0x17A00;
	[dreg:$0x13] =	wrdreg s13  }
0x10: {  	s31 =	simm.s32 $0x1;
	s1 =	ssub.s32 $0x2, s1;
	[dreg:$0x14] =	wrdreg s14  }
0x11: {  	s4 =	sshll.u32 s3, $0x6;
	s3 =	sshll.u32 s3, $0xE;
	[dreg:$0x15] =	wrdreg s15  }
0x12: {  	s4 =	sadd.s32 s4, s6;
	s3 =	sadd.s32 s3, s6;
	[dreg:$0x16] =	wrdreg s16  }
0x13: {  	s5 =	sshrl.u32 s1, $0x1;
	s7 =	simm.s32 $0xC200;
	[dreg:$0x17] =	wrdreg s17  }
0x14: {  	s8 =	simm.s32 $0xD200;
	s9 =	simm.s32 $0x200;
	[dreg:$0x18] =	wrdreg s18  }
0x15: {  	s10 =	simm.s32 $0xA00;
	s11 =	simm.s32 $0x1200;
	[dreg:$0x19] =	wrdreg s19  }
0x16: {  	s12 =	simm.s32 $0x1A00;
	s13 =	simm.s32 $0x2200;
	[dreg:$0x1a] =	wrdreg s20  }
0x17: {  	s14 =	simm.s32 $0x2A00;
	s15 =	simm.s32 $0x3200;
	[dreg:$0x1b] =	wrdreg s21  }
0x18: {  	s16 =	simm.s32 $0x3A00;
	s17 =	simm.s32 $0x4200;
	[dreg:$0x1c] =	wrdreg s22  }
0x19: {  	s18 =	simm.s32 $0x4A00;
	s19 =	simm.s32 $0x5200;
	[dreg:$0xe] =	wrdreg s7  }
0x1a: {  	s20 =	simm.s32 $0x5A00;
	s26 =	simm.s32 $0x15A00;
	[dreg:$0x10] =	wrdreg s8  }
0x1b: {  	s21 =	simm.s32 $0x6200;
	s28 =	simm.s32 $0x16200;
	[smem:$0x7FC] =	sst s26  }
0x1c: {  	s22 =	simm.s32 $0x6A00;
	s4 =	sadd.s32 $0x40800, s4;
	[smem:$0x7FD] =	sst s28  }
0x1d: {  	s23 =	sadd.s32 $0x131000, s3;
	s24 =	sadd.s32 $0x132000, s3;
	[dreg:$0x2] =	wrdreg s4  }
0x1e: {  	s25 =	sadd.s32 $0x133000, s3;
	s3 =	sadd.s32 $0x134000, s3;
	[dreg:$0x3] =	wrdreg s23  }
0x1f: {  	s1 =	ssub.s32 s1, s5;
	s5 =	sadd.s32 $0x41200, s6;
	[dreg:$0x4] =	wrdreg s24  }
0x20: {  	s8 =	simm.s32 $0x3;
	s26 =	simm.s32 $0x10200;
	[dreg:$0x5] =	wrdreg s25  }
0x21: {  	[dreg:$0x6] =	wrdreg s3;
	s3 =	sadd.s32 $0x41000, s6;
	s23 =	simm.s32 $0x14200  }
0x22: {  	s4 =	sadd.s32 $0x41100, s6;
	s24 =	simm.s32 $0x14A00;
	[dreg:$0x1d] =	wrdreg s23  }
0x23: {  	v2 =	vlaneseq.u32;
	s6 =	sadd.s32 $0x41300, s6;
	s25 =	simm.s32 $0x15200;
	[dreg:$0x1e] =	wrdreg s24  }
0x24: {  	vm0 =	vmmov $0xffff;
	v1 =	vshrl.u32 v2, $0x3;
	s7 =	smax.u32 s1, $0x1;
	s1 =	simm.s32 $0x2;
	[dreg:$0x1f] =	wrdreg s25  }
0x25: {  	v0 =	vand.u32 $0x7, v2;
	v2 =	vor.u32 $0x8, v2;
	v1 =	vmul.u32 $0x8, v1;
	s23 =	simm.s32 $0x7200;
	s24 =	simm.s32 $0x7A00;
	s25 =	simm.s32 $0x8200  }
.LBB2_1:
0x26: {  	s0 =	rddreg [dreg:$0x2]  }
0x27: {  	[tilespmem:s2], [sflag:$0x3] =	stream.linear.gather [hbm4b:s0+s2], $0x200, $0x38;
	[tilespmem:$0x18200] =	vst v63  }
0x28: {  	_ =	swait.ge [sflag:s8], $0x200  }
0x29: {  	[sflag:s8] =	ssyncset.done $0x0  }
0x2a: {  	[sflag:s8] =	ssyncadd.s32 $0xFFFFFE00  }
0x2b: {  	v3 =	vld [tilespmem:$0x0];
	_ =	sdelay $0x4  }
0x2c: {  	v4 =	vshll.u32 v3, $0x3  }
0x2d: {  	v3 =	vand.u32 $0x7, v3;
	v4 =	vand.u32 $0xFFFFFFC0, v4  }
0x2e: {  	v3 =	vor.u32 v3, v4  }
0x2f: {  	v4 =	vperm.xlane v3, v0;
	_ =	sdelay $0x1  }
0x30: {  	v4 =	vadd.s32 v1, v4;
	_ =	sdelay $0x4  }
0x31: {  	[tilespmem:s9], [sflag:$0x1] =	stream.indirect_vreg.gather [hbm4b:s3+s2], $0x80, v4, vm0, $0xb8;
	[tilespmem:$0x18200] =	vst v63  }
0x32: {  	v3 =	vperm.xlane v3, v2  }
0x33: {  	[tilespmem:s10], [sflag:$0x1] =	stream.indirect_vreg.gather [hbm4b:s4+s2], $0x80, v4, vm0, $0xb8;
	[tilespmem:$0x18200] =	vst v63  }
0x34: {  	v3 =	vadd.s32 v1, v3  }
0x35: {  	[tilespmem:s11], [sflag:$0x1] =	stream.indirect_vreg.gather [hbm4b:s5+s2], $0x80, v4, vm0, $0xb8;
	[tilespmem:$0x18200] =	vst v63  }
0x36: {  	_ = 	snop  }
0x37: {  	[tilespmem:s12], [sflag:$0x1] =	stream.indirect_vreg.gather [hbm4b:s6+s2], $0x80, v4, vm0, $0xb8;
	[tilespmem:$0x18200] =	vst v63  }
0x38: {  	_ = 	snop  }
0x39: {  	[tilespmem:s13], [sflag:$0x1] =	stream.indirect_vreg.gather [hbm4b:s3+s2], $0x80, v3, vm0, $0xb8;
	[tilespmem:$0x18200] =	vst v63  }
0x3a: {  	_ = 	snop  }
0x3b: {  	[tilespmem:s14], [sflag:$0x1] =	stream.indirect_vreg.gather [hbm4b:s4+s2], $0x80, v3, vm0, $0xb8;
	[tilespmem:$0x18200] =	vst v63  }
0x3c: {  	_ = 	snop  }
0x3d: {  	[tilespmem:s15], [sflag:$0x1] =	stream.indirect_vreg.gather [hbm4b:s5+s2], $0x80, v3, vm0, $0xb8;
	[tilespmem:$0x18200] =	vst v63  }
0x3e: {  	_ = 	snop  }
0x3f: {  	[tilespmem:s16], [sflag:$0x1] =	stream.indirect_vreg.gather [hbm4b:s6+s2], $0x80, v3, vm0, $0xb8;
	[tilespmem:$0x18200] =	vst v63  }
0x40: {  	v3 =	vld [tilespmem:$0x10];
	_ =	sdelay $0x4  }
0x41: {  	v57 =	vshll.u32 v3, $0x3  }
0x42: {  	v3 =	vand.u32 $0x7, v3;
	v4 =	vand.u32 $0xFFFFFFC0, v57  }
0x43: {  	v3 =	vor.u32 v3, v4  }
0x44: {  	v4 =	vperm.xlane v3, v0;
	_ =	sdelay $0x1  }
0x45: {  	v4 =	vadd.s32 v1, v4;
	_ =	sdelay $0x4  }
0x46: {  	[tilespmem:s17], [sflag:$0x1] =	stream.indirect_vreg.gather [hbm4b:s3+s2], $0x80, v4, vm0, $0xb8;
	[tilespmem:$0x18200] =	vst v63  }
0x47: {  	v3 =	vperm.xlane v3, v2  }
0x48: {  	[tilespmem:s18], [sflag:$0x1] =	stream.indirect_vreg.gather [hbm4b:s4+s2], $0x80, v4, vm0, $0xb8;
	[tilespmem:$0x18200] =	vst v63  }
0x49: {  	v3 =	vadd.s32 v1, v3  }
0x4a: {  	[tilespmem:s19], [sflag:$0x1] =	stream.indirect_vreg.gather [hbm4b:s5+s2], $0x80, v4, vm0, $0xb8;
	[tilespmem:$0x18200] =	vst v63  }
0x4b: {  	_ = 	snop  }
0x4c: {  	[tilespmem:s20], [sflag:$0x1] =	stream.indirect_vreg.gather [hbm4b:s6+s2], $0x80, v4, vm0, $0xb8;
	[tilespmem:$0x18200] =	vst v63  }
0x4d: {  	_ = 	snop  }
0x4e: {  	[tilespmem:s21], [sflag:$0x1] =	stream.indirect_vreg.gather [hbm4b:s3+s2], $0x80, v3, vm0, $0xb8;
	[tilespmem:$0x18200] =	vst v63  }
0x4f: {  	_ = 	snop  }
0x50: {  	[tilespmem:s22], [sflag:$0x1] =	stream.indirect_vreg.gather [hbm4b:s4+s2], $0x80, v3, vm0, $0xb8;
	[tilespmem:$0x18200] =	vst v63  }
0x51: {  	_ = 	snop  }
0x52: {  	[tilespmem:s23], [sflag:$0x1] =	stream.indirect_vreg.gather [hbm4b:s5+s2], $0x80, v3, vm0, $0xb8;
	[tilespmem:$0x18200] =	vst v63  }
0x53: {  	_ = 	snop  }
0x54: {  	[tilespmem:s24], [sflag:$0x1] =	stream.indirect_vreg.gather [hbm4b:s6+s2], $0x80, v3, vm0, $0xb8;
	[tilespmem:$0x18200] =	vst v63  }
0x55: {  	v3 =	vld [tilespmem:$0x80];
	_ =	sdelay $0x4  }
0x56: {  	v58 =	vshll.u32 v3, $0x3  }
0x57: {  	v3 =	vand.u32 $0x7, v3;
	v4 =	vand.u32 $0xFFFFFFC0, v58  }
0x58: {  	v3 =	vor.u32 v3, v4  }
0x59: {  	v4 =	vperm.xlane v3, v0;
	_ =	sdelay $0x1  }
0x5a: {  	v4 =	vadd.s32 v1, v4;
	_ =	sdelay $0x4  }
0x5b: {  	[tilespmem:s25], [sflag:$0x1] =	stream.indirect_vreg.gather [hbm4b:s3+s2], $0x80, v4, vm0, $0xb8;
	[tilespmem:$0x18200] =	vst v63  }
0x5c: {  	s0 =	rddreg [dreg:$0x7];
	v3 =	vperm.xlane v3, v2  }
0x5d: {  	[tilespmem:s0], [sflag:$0x1] =	stream.indirect_vreg.gather [hbm4b:s4+s2], $0x80, v4, vm0, $0xb8;
	[tilespmem:$0x18200] =	vst v63  }
0x5e: {  	s28 =	rddreg [dreg:$0x8];
	v3 =	vadd.s32 v1, v3  }
0x5f: {  	[tilespmem:s28], [sflag:$0x1] =	stream.indirect_vreg.gather [hbm4b:s5+s2], $0x80, v4, vm0, $0xb8;
	[tilespmem:$0x18200] =	vst v63  }
0x60: {  	s0 =	rddreg [dreg:$0x9]  }
0x61: {  	[tilespmem:s0], [sflag:$0x1] =	stream.indirect_vreg.gather [hbm4b:s6+s2], $0x80, v4, vm0, $0xb8;
	[tilespmem:$0x18200] =	vst v63  }
0x62: {  	s28 =	rddreg [dreg:$0xa]  }
0x63: {  	[tilespmem:s28], [sflag:$0x1] =	stream.indirect_vreg.gather [hbm4b:s3+s2], $0x80, v3, vm0, $0xb8;
	[tilespmem:$0x18200] =	vst v63  }
0x64: {  	s0 =	rddreg [dreg:$0xb]  }
0x65: {  	[tilespmem:s0], [sflag:$0x1] =	stream.indirect_vreg.gather [hbm4b:s4+s2], $0x80, v3, vm0, $0xb8;
	[tilespmem:$0x18200] =	vst v63  }
0x66: {  	s28 =	rddreg [dreg:$0xc]  }
0x67: {  	[tilespmem:s28], [sflag:$0x1] =	stream.indirect_vreg.gather [hbm4b:s5+s2], $0x80, v3, vm0, $0xb8;
	[tilespmem:$0x18200] =	vst v63  }
0x68: {  	s0 =	rddreg [dreg:$0xd]  }
0x69: {  	[tilespmem:s0], [sflag:$0x1] =	stream.indirect_vreg.gather [hbm4b:s6+s2], $0x80, v3, vm0, $0xb8;
	[tilespmem:$0x18200] =	vst v63  }
0x6a: {  	v3 =	vld [tilespmem:$0x90];
	_ =	sdelay $0x4  }
0x6b: {  	v59 =	vshll.u32 v3, $0x3  }
0x6c: {  	v3 =	vand.u32 $0x7, v3;
	v4 =	vand.u32 $0xFFFFFFC0, v59  }
0x6d: {  	v3 =	vor.u32 v3, v4  }
0x6e: {  	v4 =	vperm.xlane v3, v0;
	_ =	sdelay $0x1  }
0x6f: {  	v4 =	vadd.s32 v1, v4;
	_ =	sdelay $0x3  }
0x70: {  	s0 =	rddreg [dreg:$0xe]  }
0x71: {  	[tilespmem:s0], [sflag:$0x1] =	stream.indirect_vreg.gather [hbm4b:s3+s2], $0x80, v4, vm0, $0xb8;
	[tilespmem:$0x18200] =	vst v63  }
0x72: {  	s28 =	rddreg [dreg:$0xf];
	v3 =	vperm.xlane v3, v2  }
0x73: {  	[tilespmem:s28], [sflag:$0x1] =	stream.indirect_vreg.gather [hbm4b:s4+s2], $0x80, v4, vm0, $0xb8;
	[tilespmem:$0x18200] =	vst v63  }
0x74: {  	v3 =	vadd.s32 v1, v3;
	s0 =	rddreg [dreg:$0x10]  }
0x75: {  	[tilespmem:s0], [sflag:$0x1] =	stream.indirect_vreg.gather [hbm4b:s5+s2], $0x80, v4, vm0, $0xb8;
	[tilespmem:$0x18200] =	vst v63  }
0x76: {  	s28 =	rddreg [dreg:$0x11]  }
0x77: {  	[tilespmem:s28], [sflag:$0x1] =	stream.indirect_vreg.gather [hbm4b:s6+s2], $0x80, v4, vm0, $0xb8;
	[tilespmem:$0x18200] =	vst v63  }
0x78: {  	s0 =	rddreg [dreg:$0x12]  }
0x79: {  	[tilespmem:s0], [sflag:$0x1] =	stream.indirect_vreg.gather [hbm4b:s3+s2], $0x80, v3, vm0, $0xb8;
	[tilespmem:$0x18200] =	vst v63  }
0x7a: {  	s28 =	rddreg [dreg:$0x13]  }
0x7b: {  	[tilespmem:s28], [sflag:$0x1] =	stream.indirect_vreg.gather [hbm4b:s4+s2], $0x80, v3, vm0, $0xb8;
	[tilespmem:$0x18200] =	vst v63  }
0x7c: {  	s0 =	rddreg [dreg:$0x14]  }
0x7d: {  	[tilespmem:s0], [sflag:$0x1] =	stream.indirect_vreg.gather [hbm4b:s5+s2], $0x80, v3, vm0, $0xb8;
	[tilespmem:$0x18200] =	vst v63  }
0x7e: {  	s28 =	rddreg [dreg:$0x15]  }
0x7f: {  	[tilespmem:s28], [sflag:$0x1] =	stream.indirect_vreg.gather [hbm4b:s6+s2], $0x80, v3, vm0, $0xb8;
	[tilespmem:$0x18200] =	vst v63  }
0x80: {  	v3 =	vld [tilespmem:$0x100];
	_ =	sdelay $0x4  }
0x81: {  	v60 =	vshll.u32 v3, $0x3  }
0x82: {  	v3 =	vand.u32 $0x7, v3;
	v4 =	vand.u32 $0xFFFFFFC0, v60  }
0x83: {  	v3 =	vor.u32 v3, v4  }
0x84: {  	v4 =	vperm.xlane v3, v0;
	_ =	sdelay $0x1  }
0x85: {  	v4 =	vadd.s32 v1, v4;
	_ =	sdelay $0x4  }
0x86: {  	[tilespmem:s26], [sflag:$0x1] =	stream.indirect_vreg.gather [hbm4b:s3+s2], $0x80, v4, vm0, $0xb8;
	[tilespmem:$0x18200] =	vst v63  }
0x87: {  	s0 =	rddreg [dreg:$0x16];
	v3 =	vperm.xlane v3, v2  }
0x88: {  	[tilespmem:s0], [sflag:$0x1] =	stream.indirect_vreg.gather [hbm4b:s4+s2], $0x80, v4, vm0, $0xb8;
	[tilespmem:$0x18200] =	vst v63  }
0x89: {  	s28 =	rddreg [dreg:$0x17];
	v3 =	vadd.s32 v1, v3  }
0x8a: {  	[tilespmem:s28], [sflag:$0x1] =	stream.indirect_vreg.gather [hbm4b:s5+s2], $0x80, v4, vm0, $0xb8;
	[tilespmem:$0x18200] =	vst v63  }
0x8b: {  	s0 =	rddreg [dreg:$0x18]  }
0x8c: {  	[tilespmem:s0], [sflag:$0x1] =	stream.indirect_vreg.gather [hbm4b:s6+s2], $0x80, v4, vm0, $0xb8;
	[tilespmem:$0x18200] =	vst v63  }
0x8d: {  	s28 =	rddreg [dreg:$0x19]  }
0x8e: {  	[tilespmem:s28], [sflag:$0x1] =	stream.indirect_vreg.gather [hbm4b:s3+s2], $0x80, v3, vm0, $0xb8;
	[tilespmem:$0x18200] =	vst v63  }
0x8f: {  	s0 =	rddreg [dreg:$0x1a]  }
0x90: {  	[tilespmem:s0], [sflag:$0x1] =	stream.indirect_vreg.gather [hbm4b:s4+s2], $0x80, v3, vm0, $0xb8;
	[tilespmem:$0x18200] =	vst v63  }
0x91: {  	s28 =	rddreg [dreg:$0x1b]  }
0x92: {  	[tilespmem:s28], [sflag:$0x1] =	stream.indirect_vreg.gather [hbm4b:s5+s2], $0x80, v3, vm0, $0xb8;
	[tilespmem:$0x18200] =	vst v63  }
0x93: {  	s0 =	rddreg [dreg:$0x1c]  }
0x94: {  	[tilespmem:s0], [sflag:$0x1] =	stream.indirect_vreg.gather [hbm4b:s6+s2], $0x80, v3, vm0, $0xb8;
	[tilespmem:$0x18200] =	vst v63  }
0x95: {  	v3 =	vld [tilespmem:$0x110];
	_ =	sdelay $0x4  }
0x96: {  	v61 =	vshll.u32 v3, $0x3  }
0x97: {  	v3 =	vand.u32 $0x7, v3;
	v4 =	vand.u32 $0xFFFFFFC0, v61  }
0x98: {  	v3 =	vor.u32 v3, v4  }
0x99: {  	v4 =	vperm.xlane v3, v0;
	_ =	sdelay $0x1  }
0x9a: {  	v4 =	vadd.s32 v1, v4;
	_ =	sdelay $0x2  }
0x9b: {  	s28 =	rddreg [dreg:$0x1e]  }
0x9c: {  	s0 =	rddreg [dreg:$0x1d]  }
0x9d: {  	[tilespmem:s0], [sflag:$0x1] =	stream.indirect_vreg.gather [hbm4b:s3+s2], $0x80, v4, vm0, $0xb8;
	[tilespmem:$0x18200] =	vst v63  }
0x9e: {  	v3 =	vperm.xlane v3, v2;
	s0 =	rddreg [dreg:$0x1f]  }
0x9f: {  	[tilespmem:s28], [sflag:$0x1] =	stream.indirect_vreg.gather [hbm4b:s4+s2], $0x80, v4, vm0, $0xb8;
	[tilespmem:$0x18200] =	vst v63  }
0xa0: {  	v3 =	vadd.s32 v1, v3;
	s28 =	sld [smem:$0x7FC]  }
0xa1: {  	[tilespmem:s0], [sflag:$0x1] =	stream.indirect_vreg.gather [hbm4b:s5+s2], $0x80, v4, vm0, $0xb8;
	[tilespmem:$0x18200] =	vst v63  }
0xa2: {  	s0 =	sld [smem:$0x7FD]  }
0xa3: {  	[tilespmem:s28], [sflag:$0x1] =	stream.indirect_vreg.gather [hbm4b:s6+s2], $0x80, v4, vm0, $0xb8;
	[tilespmem:$0x18200] =	vst v63  }
0xa4: {  	_ = 	snop  }
0xa5: {  	[tilespmem:s0], [sflag:$0x1] =	stream.indirect_vreg.gather [hbm4b:s3+s2], $0x80, v3, vm0, $0xb8;
	[tilespmem:$0x18200] =	vst v63  }
0xa6: {  	s28 =	simm.s32 $0x16A00  }
0xa7: {  	[tilespmem:s28], [sflag:$0x1] =	stream.indirect_vreg.gather [hbm4b:s4+s2], $0x80, v3, vm0, $0xb8;
	[tilespmem:$0x18200] =	vst v63  }
0xa8: {  	_ = 	snop  }
0xa9: {  	[tilespmem:s29], [sflag:$0x1] =	stream.indirect_vreg.gather [hbm4b:s5+s2], $0x80, v3, vm0, $0xb8;
	[tilespmem:$0x18200] =	vst v63  }
0xaa: {  	_ = 	snop  }
0xab: {  	[tilespmem:s30], [sflag:$0x1] =	stream.indirect_vreg.gather [hbm4b:s6+s2], $0x80, v3, vm0, $0xb8;
	[tilespmem:$0x18200] =	vst v63  }
0xac: {  	_ =	swait.ge [sflag:s31], $0x8000  }
0xad: {  	[sflag:s31] =	ssyncset.done $0x0  }
0xae: {  	s28 =	rddreg [dreg:$0x3];
	[sflag:s31] =	ssyncadd.s32 $0xFFFF8000  }
0xaf: {  	[hbm4b:s28+s2] =	stream.linear.scatter [tilespmem:s9], [sflag:$0x2], $0x8000, $0x38;
	[tilespmem:$0x18200] =	vst v63  }
0xb0: {  	_ =	swait.ge [sflag:s1], $0x8000  }
0xb1: {  	[sflag:s1] =	ssyncset.done $0x0  }
0xb2: {  	[sflag:s1] =	ssyncadd.s32 $0xFFFF8000  }
0xb3: {  	v3 =	vld [tilespmem:$0x180];
	_ =	sdelay $0x4  }
0xb4: {  	v62 =	vshll.u32 v3, $0x3  }
0xb5: {  	v3 =	vand.u32 $0x7, v3;
	v4 =	vand.u32 $0xFFFFFFC0, v62  }
0xb6: {  	v3 =	vor.u32 v3, v4  }
0xb7: {  	v4 =	vperm.xlane v3, v0;
	_ =	sdelay $0x1  }
0xb8: {  	v4 =	vadd.s32 v1, v4;
	_ =	sdelay $0x4  }
0xb9: {  	[tilespmem:s9], [sflag:$0x1] =	stream.indirect_vreg.gather [hbm4b:s3+s2], $0x80, v4, vm0, $0xb8;
	[tilespmem:$0x18200] =	vst v63  }
0xba: {  	v3 =	vperm.xlane v3, v2  }
0xbb: {  	[tilespmem:s10], [sflag:$0x1] =	stream.indirect_vreg.gather [hbm4b:s4+s2], $0x80, v4, vm0, $0xb8;
	[tilespmem:$0x18200] =	vst v63  }
0xbc: {  	v3 =	vadd.s32 v1, v3  }
0xbd: {  	[tilespmem:s11], [sflag:$0x1] =	stream.indirect_vreg.gather [hbm4b:s5+s2], $0x80, v4, vm0, $0xb8;
	[tilespmem:$0x18200] =	vst v63  }
0xbe: {  	_ = 	snop  }
0xbf: {  	[tilespmem:s12], [sflag:$0x1] =	stream.indirect_vreg.gather [hbm4b:s6+s2], $0x80, v4, vm0, $0xb8;
	[tilespmem:$0x18200] =	vst v63  }
0xc0: {  	_ = 	snop  }
0xc1: {  	[tilespmem:s13], [sflag:$0x1] =	stream.indirect_vreg.gather [hbm4b:s3+s2], $0x80, v3, vm0, $0xb8;
	[tilespmem:$0x18200] =	vst v63  }
0xc2: {  	_ = 	snop  }
0xc3: {  	[tilespmem:s14], [sflag:$0x1] =	stream.indirect_vreg.gather [hbm4b:s4+s2], $0x80, v3, vm0, $0xb8;
	[tilespmem:$0x18200] =	vst v63  }
0xc4: {  	_ = 	snop  }
0xc5: {  	[tilespmem:s15], [sflag:$0x1] =	stream.indirect_vreg.gather [hbm4b:s5+s2], $0x80, v3, vm0, $0xb8;
	[tilespmem:$0x18200] =	vst v63  }
0xc6: {  	_ = 	snop  }
0xc7: {  	[tilespmem:s16], [sflag:$0x1] =	stream.indirect_vreg.gather [hbm4b:s6+s2], $0x80, v3, vm0, $0xb8;
	[tilespmem:$0x18200] =	vst v63  }
0xc8: {  	v3 =	vld [tilespmem:$0x190];
	_ =	sdelay $0x4  }
0xc9: {  	v63 =	vshll.u32 v3, $0x3  }
0xca: {  	v3 =	vand.u32 $0x7, v3;
	v4 =	vand.u32 $0xFFFFFFC0, v63  }
0xcb: {  	v3 =	vor.u32 v3, v4  }
0xcc: {  	v4 =	vperm.xlane v3, v0;
	_ =	sdelay $0x1  }
0xcd: {  	v4 =	vadd.s32 v1, v4;
	_ =	sdelay $0x4  }
0xce: {  	[tilespmem:s17], [sflag:$0x1] =	stream.indirect_vreg.gather [hbm4b:s3+s2], $0x80, v4, vm0, $0xb8;
	[tilespmem:$0x18200] =	vst v63  }
0xcf: {  	v3 =	vperm.xlane v3, v2  }
0xd0: {  	[tilespmem:s18], [sflag:$0x1] =	stream.indirect_vreg.gather [hbm4b:s4+s2], $0x80, v4, vm0, $0xb8;
	[tilespmem:$0x18200] =	vst v63  }
0xd1: {  	v3 =	vadd.s32 v1, v3  }
0xd2: {  	[tilespmem:s19], [sflag:$0x1] =	stream.indirect_vreg.gather [hbm4b:s5+s2], $0x80, v4, vm0, $0xb8;
	[tilespmem:$0x18200] =	vst v63  }
0xd3: {  	_ = 	snop  }
0xd4: {  	[tilespmem:s20], [sflag:$0x1] =	stream.indirect_vreg.gather [hbm4b:s6+s2], $0x80, v4, vm0, $0xb8;
	[tilespmem:$0x18200] =	vst v63  }
0xd5: {  	_ = 	snop  }
0xd6: {  	[tilespmem:s21], [sflag:$0x1] =	stream.indirect_vreg.gather [hbm4b:s3+s2], $0x80, v3, vm0, $0xb8;
	[tilespmem:$0x18200] =	vst v63  }
0xd7: {  	_ = 	snop  }
0xd8: {  	[tilespmem:s22], [sflag:$0x1] =	stream.indirect_vreg.gather [hbm4b:s4+s2], $0x80, v3, vm0, $0xb8;
	[tilespmem:$0x18200] =	vst v63  }
0xd9: {  	_ = 	snop  }
0xda: {  	[tilespmem:s23], [sflag:$0x1] =	stream.indirect_vreg.gather [hbm4b:s5+s2], $0x80, v3, vm0, $0xb8;
	[tilespmem:$0x18200] =	vst v63  }
0xdb: {  	_ = 	snop  }
0xdc: {  	[tilespmem:s24], [sflag:$0x1] =	stream.indirect_vreg.gather [hbm4b:s6+s2], $0x80, v3, vm0, $0xb8;
	[tilespmem:$0x18200] =	vst v63  }
0xdd: {  	_ =	swait.ge [sflag:s31], $0x8000  }
0xde: {  	[sflag:s31] =	ssyncset.done $0x0  }
0xdf: {  	s28 =	rddreg [dreg:$0x4];
	[sflag:s31] =	ssyncadd.s32 $0xFFFF8000  }
0xe0: {  	[hbm4b:s28+s2] =	stream.linear.scatter [tilespmem:s25], [sflag:$0x2], $0x8000, $0x38;
	[tilespmem:$0x18200] =	vst v63  }
0xe1: {  	_ =	swait.ge [sflag:s31], $0x8000  }
0xe2: {  	[sflag:s31] =	ssyncset.done $0x0  }
0xe3: {  	s28 =	rddreg [dreg:$0x5];
	[sflag:s31] =	ssyncadd.s32 $0xFFFF8000  }
0xe4: {  	[hbm4b:s28+s2] =	stream.linear.scatter [tilespmem:s26], [sflag:$0x2], $0x8000, $0x38;
	[tilespmem:$0x18200] =	vst v63  }
0xe5: {  	_ =	swait.ge [sflag:s31], $0x8000  }
0xe6: {  	[sflag:s31] =	ssyncset.done $0x0  }
0xe7: {  	s28 =	rddreg [dreg:$0x6];
	[sflag:s31] =	ssyncadd.s32 $0xFFFF8000  }
0xe8: {  	[hbm4b:s28+s2] =	stream.linear.scatter [tilespmem:s9], [sflag:$0x2], $0x8000, $0x38;
	[tilespmem:$0x18200] =	vst v63  }
0xe9: {  	_ =	swait.ge [sflag:s1], $0x8000  }
0xea: {  	[sflag:s1] =	ssyncset.done $0x0  }
0xeb: {  	[sflag:s1] =	ssyncadd.s32 $0xFFFF8000  }
0xec: {  	p0 =	sne.s32 s7, $0x1;
	_ =	swait.ge [sflag:s1], $0x8000  }
.Ltmp0:
0xed: {  	[sflag:s1] =	ssyncset.done $0x0;
	(pc) =	sbr.rel @p0 .LBB2_1-.Ltmp0, $4  }
0xee: {  	[sflag:s1] =	ssyncadd.s32 $0xFFFF8000  }
0xef: {  	_ =	swait.ge [sflag:s1], $0x8000  }
0xf0: {  	[sflag:s1] =	ssyncset.done $0x0  }
0xf1: {  	s7 =	sadd.s32 $0xFFFFFFFF, s7;
	[sflag:s1] =	ssyncadd.s32 $0xFFFF8000  }
0xf2: {  	_ =	sfence.sel $0x180000  }
0xf3: {  	[bflag:$0x0] =	sbarrier.arrive $0xFFFF  }
0xf4: {  	_ =	strace $0x9000004A  }
0xf5: {  	s0 =	stileid.u32;
	[bflag:$0x2] =	sbarrier.arrive $0xFFFF  }
0xf6: {  	p0 =	sne.s32 s0, $0x0;
	s0 =	rddreg [dreg:$0x1]  }
0xf7: {  	s0 =	sadd.s32 @!p0 $0x100000, s0  }
0xf8: {  	[sflag:s0] =	ssyncadd.tile.s32 @!p0 $0x1;
	_ =	shalt  }
.Lfunc_end2:
_tile_overlayer_lowered:
.L_overlay_start_2:
0xf9: {  	(tag) =	ssettag $0x2  }
0xfa: {  	s0 =	rddreg [dreg:$0x0];
	s2 =	stileid.u32  }
0xfb: {  	s1 =	rddreg [dreg:$0x1];
	p0 =	sne.s32 s2, $0x0  }
0xfc: {  	s3 =	rddreg [dreg:$0x2];
	[bflag:$0x3] =	sbarrier.arrive $0xFFFF;
	s2 =	simm.s32 @!p0 $0x1C03  }
0xfd: {  	[timem:s3], [sflag:s2] =	dma.local @!p0 [hbm:s0], s1  }
0xfe: {  	s0 =	simm.s32 @!p0 $0x3  }
0xff: {  	_ =	swait.ge @!p0 [sflag:s0], s1  }
0x100: {  	s1 =	ssub.s32 @!p0 $0x0, s1;
	[sflag:s0] =	ssyncset.done @!p0 $0x0  }
0x101: {  	[sflag:s0] =	ssyncadd.s32 @!p0 s1  }
0x102: {  	[bflag:$0x3] =	sbarrier.arrive $0xFFFF  }
0x103: {  	_ =	shalt  }

</sc_bundles>
